<compile_context>
chip_gen: v7x
topology: tpu7x:2x2x1
jax: 0.10.2.dev20260603
libtpu: 0.0.44.dev20260713+nightly
codegen_flags: <defaults>
</compile_context>

<pallas_src>
import functools

import jax
import jax.numpy as jnp
from jax import lax
from jax.experimental import pallas as pl
from jax.experimental.pallas import tpu as pltpu
from jax.experimental.pallas import tpu_sc as plsc

_D = 64
_CHUNK = 256
_OUTC = 256


@functools.lru_cache(maxsize=None)
def _make_seg_sum(n_rows: int, n_seg: int):
    info = plsc.get_sparse_core_info()
    nw = info.num_cores * info.num_subcores
    segs_w = n_seg // nw
    assert segs_w * nw == n_seg, (n_seg, nw)
    mesh = plsc.VectorSubcoreMesh(core_axis_name="c", subcore_axis_name="s")

    @functools.partial(
        pl.kernel,
        mesh=mesh,
        compiler_params=pltpu.CompilerParams(
            needs_layout_passes=False, use_tc_tiling_on_sc=False),
        out_type=jax.ShapeDtypeStruct((n_seg, _D), jnp.float32),
        scratch_types=[
            pltpu.VMEM((segs_w + 16,), jnp.int32),
            pltpu.VMEM((_CHUNK, _D), jnp.float32),
            pltpu.VMEM((_CHUNK, _D), jnp.float32),
            pltpu.VMEM((_OUTC, _D), jnp.float32),
            pltpu.SemaphoreType.DMA,
            pltpu.SemaphoreType.DMA,
        ],
    )
    def seg_sum(emb_hbm, indptr_hbm, seg_hbm, idx_v, buf_a, buf_b, outbuf,
                sem_a, sem_b):
        wid = lax.axis_index("s") * info.num_cores + lax.axis_index("c")
        seg0 = pl.multiple_of(wid * segs_w, 8)
        pltpu.async_copy(
            indptr_hbm.at[pl.ds(seg0, segs_w + 16)], idx_v, sem_a).wait()

        def ip(i):
            return idx_v[pl.ds(i, 16)][0]

        zeros = jnp.zeros((16,), jnp.float32)

        def chunk_base(abase, k):
            return pl.multiple_of(
                jnp.minimum(abase + k * _CHUNK,
                            jnp.int32(n_rows - _CHUNK)), 8)

        def start_fetch(abase, k, buf, sem):
            pltpu.async_copy(
                emb_hbm.at[pl.ds(chunk_base(abase, k), _CHUNK)], buf, sem)

        def wait_fetch(buf, sem):
            pltpu.make_async_copy(
                emb_hbm.at[pl.ds(0, _CHUNK)], buf, sem).wait()

        def process(k, buf, st, abase, pend, s_lo):
            seg, p, a0, a1, a2, a3 = st
            base = chunk_base(abase, k)
            hi = jnp.minimum(abase + (k + 1) * _CHUNK, pend)

            def span_add(lo, up, accs):
                @plsc.parallel_loop(lo, up, unroll=4, carry=accs)
                def out(r, accs):
                    off = r - base
                    return (accs[0] + buf[off, pl.ds(0, 16)],
                            accs[1] + buf[off, pl.ds(16, 16)],
                            accs[2] + buf[off, pl.ds(32, 16)],
                            accs[3] + buf[off, pl.ds(48, 16)])

                return out

            def cnt_body(b, acc):
                vals = idx_v[pl.ds(s_lo + 1 + b * 16, 16)]
                return acc + plsc.all_reduce_population_count(vals <= hi)[0]

            cnt = lax.fori_loop(0, _OUTC // 16, cnt_body, jnp.int32(0))
            nb = cnt - (seg - s_lo)

            def close_body(j, st):
                seg, p, a0, a1, a2, a3 = st
                e = ip(seg + 1)
                a0, a1, a2, a3 = span_add(p, e, (a0, a1, a2, a3))
                lseg = seg - s_lo
                outbuf[lseg, pl.ds(0, 16)] = a0
                outbuf[lseg, pl.ds(16, 16)] = a1
                outbuf[lseg, pl.ds(32, 16)] = a2
                outbuf[lseg, pl.ds(48, 16)] = a3
                return (seg + 1, e, zeros, zeros, zeros, zeros)

            st = lax.fori_loop(0, nb, close_body, (seg, p, a0, a1, a2, a3))
            seg, p, a0, a1, a2, a3 = st
            a0, a1, a2, a3 = span_add(p, hi, (a0, a1, a2, a3))
            return (seg, hi, a0, a1, a2, a3)

        def tile_body(f, _):
            s_lo = f * _OUTC
            p0 = ip(s_lo)
            pend = ip(s_lo + _OUTC)
            abase = p0 & jnp.int32(~7)
            n_chunks = lax.div(pend - abase, jnp.int32(_CHUNK)) + 1
            n_pairs = lax.div(n_chunks + 1, jnp.int32(2))

            start_fetch(abase, jnp.int32(0), buf_a, sem_a)

            def pair_body(m, st):
                start_fetch(abase, 2 * m + 1, buf_b, sem_b)
                wait_fetch(buf_a, sem_a)
                st = process(2 * m, buf_a, st, abase, pend, s_lo)
                start_fetch(abase, 2 * m + 2, buf_a, sem_a)
                wait_fetch(buf_b, sem_b)
                st = process(2 * m + 1, buf_b, st, abase, pend, s_lo)
                return st

            lax.fori_loop(0, n_pairs, pair_body,
                          (s_lo, p0, zeros, zeros, zeros, zeros))
            wait_fetch(buf_a, sem_a)
            pltpu.async_copy(
                outbuf, seg_hbm.at[pl.ds(seg0 + s_lo, _OUTC)], sem_a).wait()
            return jnp.int32(0)

        lax.fori_loop(0, segs_w // _OUTC, tile_body, jnp.int32(0))

    return seg_sum


@functools.lru_cache(maxsize=None)
def _make_norm(n_clusters: int, n_variants: int):
    vb = 256
    assert n_variants % vb == 0

    def body(lib_ref, seg_ref, out_ref):
        libn = lib_ref[...].reshape(n_clusters, 1, 1) / jnp.float32(1e6)
        v = seg_ref[...] / libn
        mean = jnp.mean(v, axis=0, keepdims=True)
        dlt = v - mean
        var = jnp.sum(dlt * dlt, axis=0, keepdims=True) * (
            1.0 / (n_clusters - 1))
        rel = dlt / (jnp.sqrt(var) + jnp.float32(1e-5))
        out_ref[...] = jnp.concatenate([v, rel], axis=-1)

    return pl.pallas_call(
        body,
        grid=(n_variants // vb,),
        in_specs=[
            pl.BlockSpec((n_clusters, 1), lambda i: (0, 0)),
            pl.BlockSpec((n_clusters, vb, _D), lambda i: (0, i, 0)),
        ],
        out_specs=pl.BlockSpec((n_clusters, vb, 2 * _D), lambda i: (0, i, 0)),
        out_shape=jax.ShapeDtypeStruct(
            (n_clusters, n_variants, 2 * _D), jnp.float32),
    )


def kernel(cut_embedding, local_clusterxvariant_indptr, n_variants,
           n_clusters, cluster_cut_lib):
    nc = cluster_cut_lib.shape[0]
    n_seg = local_clusterxvariant_indptr.shape[0] - 1
    nv = n_seg // nc
    n_rows = cut_embedding.shape[0]

    indptr = local_clusterxvariant_indptr.astype(jnp.int32)
    indptr = jnp.concatenate(
        [indptr, jnp.broadcast_to(indptr[-1], (16,))])

    seg = _make_seg_sum(n_rows, n_seg)(cut_embedding, indptr)
    segr = seg.reshape(nc, nv, _D)
    lib2 = cluster_cut_lib.astype(jnp.float32).reshape(nc, 1)
    return _make_norm(nc, nv)(lib2, segr)

# --- scband reference (transcript-rebuilt; emitter-appended) ---
"""Pipeline reference for scband-variant-embedder-74096775790610 (READ-ONLY COPY).

The authoritative reference and input builder live on the scoring server;
editing this copy changes nothing except your own understanding.
"""

import jax, jax.numpy as jnp
import numpy as np

N = 1048576
D = 64
N_CLUSTERS = 32
N_VARIANTS = 2048
S = N_CLUSTERS * N_VARIANTS


def setup_inputs(seed: int = 0) -> dict:
    key = jax.random.key(seed)
    k1, k2 = jax.random.split(key)
    cut_embedding = jax.random.normal(k1, (N, D), dtype=jnp.float32)
    indptr = jnp.sort(jax.random.randint(k2, (S + 1,), 0, N))
    cluster_cut_lib = jnp.asarray(
        np.array([1000000.0 + 100000.0 * i for i in range(N_CLUSTERS)], dtype=np.float32)
    )
    return {
        "cut_embedding": cut_embedding,
        "local_clusterxvariant_indptr": indptr,
        "n_variants": N_VARIANTS,
        "n_clusters": N_CLUSTERS,
        "cluster_cut_lib": cluster_cut_lib,
    }


def reference(cut_embedding, local_clusterxvariant_indptr, n_variants, n_clusters, cluster_cut_lib):
    # buffer preprocessing from __init__: cluster_cut_lib / 10**6
    lib = cluster_cut_lib.astype(jnp.float32) / 10 ** 6
    d = cut_embedding.shape[-1]
    # segment_sum_csr: sum data[indptr[i]:indptr[i+1]] via exclusive cumsum differences
    csum = jnp.concatenate(
        [jnp.zeros((1, d), dtype=cut_embedding.dtype), jnp.cumsum(cut_embedding, axis=0)], axis=0
    )
    seg = csum[local_clusterxvariant_indptr[1:]] - csum[local_clusterxvariant_indptr[:-1]]
    n_clusters_static = cluster_cut_lib.shape[0]
    n_variants_static = (local_clusterxvariant_indptr.shape[0] - 1) // n_clusters_static
    zero = (jnp.asarray(n_clusters) - jnp.asarray(n_clusters)
            + jnp.asarray(n_variants) - jnp.asarray(n_variants)).astype(seg.dtype)
    seg = seg + zero
    variant_embedding = seg.reshape((n_clusters_static, n_variants_static, d)).astype(jnp.float32)
    variant_embedding = variant_embedding / lib[:, None, None]
    mean = variant_embedding.mean(0, keepdims=True)
    std = jnp.std(variant_embedding, axis=0, ddof=1, keepdims=True)  # torch .std is unbiased
    relative_variant_embedding = (variant_embedding - mean) / (std + 1e-05)
    variant_full_embedding = jnp.concatenate(
        [variant_embedding, relative_variant_embedding], axis=-1
    )
    return variant_full_embedding

if __name__ == "__main__":
    import jax
    _d = setup_inputs()
    print(jax.jit(kernel)(*tuple(_d.values())))

</pallas_src>

<mosaic_0001>
#map = affine_map<(d0, d1) -> (0, 0)>
#map1 = affine_map<(d0, d1) -> (0)>
module attributes {stable_mosaic.version = 14 : i64} {
  func.func @seg_sum(%arg0: i32, %arg1: i32, %arg2: memref<1048576x64xf32, #tpu.memory_space<hbm>>, %arg3: memref<65553xi32, #tpu.memory_space<hbm>>, %arg4: memref<65536x64xf32, #tpu.memory_space<hbm>>, %arg5: memref<2064xi32, #tpu.memory_space<vmem>>, %arg6: memref<256x64xf32, #tpu.memory_space<vmem>>, %arg7: memref<256x64xf32, #tpu.memory_space<vmem>>, %arg8: memref<256x64xf32, #tpu.memory_space<vmem>>, %arg9: memref<!tpu.dma_semaphore, #tpu.memory_space<semaphore_mem>>, %arg10: memref<!tpu.dma_semaphore, #tpu.memory_space<semaphore_mem>>) attributes {dimension_semantics = [#tpu.dimension_semantics<core_parallel>, #tpu.dimension_semantics<subcore_parallel>], iteration_bounds = array<i64: 2, 16>, scalar_prefetch = 0 : i64, scratch_operands = 6 : i64, tpu.core_type = #tpu.core_type<sc_vector_subcore>, window_params = [{transform_indices = #map}, {transform_indices = #map1}, {transform_indices = #map}]} {
    %mul3A = arith.constant 2 : i32
    %mul3A_0 = arith.muli %arg1, %mul3A : i32
    %add3A = arith.addi %mul3A_0, %arg0 : i32
    %mul3A_1 = arith.constant 2048 : i32
    %mul3A_2 = arith.muli %add3A, %mul3A_1 : i32
    %multiple_of3A = tpu.assume_multiple %mul3A_2, 8 : i32
    %dma_start3A = tpu.memref_slice %arg3[%multiple_of3A] : memref<65553xi32, #tpu.memory_space<hbm>> -> memref<2064xi32, #tpu.memory_space<hbm>>
    %dma_start3A_3 = tpu.memref_slice %arg3[%multiple_of3A] : memref<65553xi32, #tpu.memory_space<hbm>> -> memref<2064xi32, #tpu.memory_space<hbm>>
    tpu.enqueue_dma source(%dma_start3A_3 : memref<2064xi32, #tpu.memory_space<hbm>>) target(%arg5 : memref<2064xi32, #tpu.memory_space<vmem>>) target_semaphore(%arg9 : memref<!tpu.dma_semaphore, #tpu.memory_space<semaphore_mem>>)
    %dma_wait3A = tpu.memref_slice %arg3[%multiple_of3A] : memref<65553xi32, #tpu.memory_space<hbm>> -> memref<2064xi32, #tpu.memory_space<hbm>>
    %dma_wait3A_4 = tpu.memref_slice %arg3[%multiple_of3A] : memref<65553xi32, #tpu.memory_space<hbm>> -> memref<2064xi32, #tpu.memory_space<hbm>>
    tpu.wait_dma2 semaphore(%arg9 : memref<!tpu.dma_semaphore, #tpu.memory_space<semaphore_mem>>) src(%dma_wait3A_4 : memref<2064xi32, #tpu.memory_space<hbm>>) dst(%arg5 : memref<2064xi32, #tpu.memory_space<vmem>>)
    %broadcast_in_dim3A = arith.constant 0.000000e+00 : f32
    %broadcast_in_dim3A_5 = vector.broadcast %broadcast_in_dim3A : f32 to vector<16xf32>
    %scan3A = arith.constant 0 : i32
    %scan3A_6 = arith.constant 0 : i32
    %scan3A_7 = arith.constant 8 : i32
    %scan3A_8 = arith.addi %scan3A_6, %scan3A_7 : i32
    %scan3A_9 = arith.constant 1 : i32
    %scan3A_10 = scf.for %scan3A_12 = %scan3A_6 to %scan3A_8 step %scan3A_9 iter_args(%scan3A_13 = %scan3A) -> (i32)  : i32 {
      %mul3A_14 = arith.constant 256 : i32
      %mul3A_15 = arith.muli %scan3A_12, %mul3A_14 : i32
      %get3A = arith.index_cast %mul3A_15 : i32 to index
      %get3A_16 = tpu.vector_load %arg5[%get3A] {strides = array<i32>} : memref<2064xi32, #tpu.memory_space<vmem>>, vector<16xi32>,
      %slice3A = vector.extract_strided_slice %get3A_16 {offsets = [0], sizes = [1], strides = [1]} : vector<16xi32> to vector<1xi32>
      %squeeze3A = vector.extract %slice3A[0] : i32 from vector<1xi32>
      %add3A_17 = arith.constant 256 : i32
      %add3A_18 = arith.addi %mul3A_15, %add3A_17 : i32
      %get3A_19 = arith.index_cast %add3A_18 : i32 to index
      %get3A_20 = tpu.vector_load %arg5[%get3A_19] {strides = array<i32>} : memref<2064xi32, #tpu.memory_space<vmem>>, vector<16xi32>,
      %slice3A_21 = vector.extract_strided_slice %get3A_20 {offsets = [0], sizes = [1], strides = [1]} : vector<16xi32> to vector<1xi32>
      %squeeze3A_22 = vector.extract %slice3A_21[0] : i32 from vector<1xi32>
      %and3A = arith.constant -8 : i32
      %and3A_23 = arith.andi %squeeze3A, %and3A : i32
      %sub3A = arith.subi %squeeze3A_22, %and3A_23 : i32
      %div3A = arith.constant 256 : i32
      %div3A_24 = arith.divsi %sub3A, %div3A : i32
      %add3A_25 = arith.constant 1 : i32
      %add3A_26 = arith.addi %div3A_24, %add3A_25 : i32
      %add3A_27 = arith.constant 1 : i32
      %add3A_28 = arith.addi %add3A_26, %add3A_27 : i32
      %div3A_29 = arith.constant 2 : i32
      %div3A_30 = arith.divsi %add3A_28, %div3A_29 : i32
      %mul3A_31 = arith.constant 0 : i32
      %mul3A_32 = arith.constant 256 : i32
      %mul3A_33 = arith.muli %mul3A_31, %mul3A_32 : i32
      %add3A_34 = arith.addi %and3A_23, %mul3A_33 : i32
      %min3A = arith.constant 1048320 : i32
      %min3A_35 = arith.minsi %add3A_34, %min3A : i32
      %multiple_of3A_36 = tpu.assume_multiple %min3A_35, 8 : i32
      %dma_start3A_37 = arith.constant 0 : i32
      %dma_start3A_38 = tpu.memref_slice %arg2[%multiple_of3A_36, %dma_start3A_37] : memref<1048576x64xf32, #tpu.memory_space<hbm>> -> memref<256x64xf32, #tpu.memory_space<hbm>>
      %dma_start3A_39 = arith.constant 0 : i32
      %dma_start3A_40 = tpu.memref_slice %arg2[%multiple_of3A_36, %dma_start3A_39] : memref<1048576x64xf32, #tpu.memory_space<hbm>> -> memref<256x64xf32, #tpu.memory_space<hbm>>
      tpu.enqueue_dma source(%dma_start3A_40 : memref<256x64xf32, #tpu.memory_space<hbm>>) target(%arg6 : memref<256x64xf32, #tpu.memory_space<vmem>>) target_semaphore(%arg9 : memref<!tpu.dma_semaphore, #tpu.memory_space<semaphore_mem>>)
      %while3A = arith.constant 0 : i32
      %while3A_41 = arith.subi %div3A_30, %while3A : i32
      %while3A_42 = arith.addi %while3A, %while3A_41 : i32
      %while3A_43 = arith.constant 1 : i32
      %while3A_44 = arith.divsi %while3A_41, %while3A_43 : i32
      %while3A_45 = arith.muli %while3A_44, %while3A_43 : i32
      %while3A_46 = arith.addi %while3A, %while3A_45 : i32
      %while3A_47 = arith.constant 1 : i32
      %while3A_48:6 = scf.for %while3A_67 = %while3A to %while3A_46 step %while3A_47 iter_args(%while3A_68 = %mul3A_15, %while3A_69 = %squeeze3A, %while3A_70 = %broadcast_in_dim3A_5, %while3A_71 = %broadcast_in_dim3A_5, %while3A_72 = %broadcast_in_dim3A_5, %while3A_73 = %broadcast_in_dim3A_5) -> (i32, i32, vector<16xf32>, vector<16xf32>, vector<16xf32>, vector<16xf32>)  : i32 {
        %mul3A_74 = arith.constant 2 : i32
        %mul3A_75 = arith.muli %mul3A_74, %while3A_67 : i32
        %add3A_76 = arith.constant 1 : i32
        %add3A_77 = arith.addi %mul3A_75, %add3A_76 : i32
        %mul3A_78 = arith.constant 256 : i32
        %mul3A_79 = arith.muli %add3A_77, %mul3A_78 : i32
        %add3A_80 = arith.addi %and3A_23, %mul3A_79 : i32
        %min3A_81 = arith.constant 1048320 : i32
        %min3A_82 = arith.minsi %add3A_80, %min3A_81 : i32
        %multiple_of3A_83 = tpu.assume_multiple %min3A_82, 8 : i32
        %dma_start3A_84 = arith.constant 0 : i32
        %dma_start3A_85 = tpu.memref_slice %arg2[%multiple_of3A_83, %dma_start3A_84] : memref<1048576x64xf32, #tpu.memory_space<hbm>> -> memref<256x64xf32, #tpu.memory_space<hbm>>
        %dma_start3A_86 = arith.constant 0 : i32
        %dma_start3A_87 = tpu.memref_slice %arg2[%multiple_of3A_83, %dma_start3A_86] : memref<1048576x64xf32, #tpu.memory_space<hbm>> -> memref<256x64xf32, #tpu.memory_space<hbm>>
        tpu.enqueue_dma source(%dma_start3A_87 : memref<256x64xf32, #tpu.memory_space<hbm>>) target(%arg7 : memref<256x64xf32, #tpu.memory_space<vmem>>) target_semaphore(%arg10 : memref<!tpu.dma_semaphore, #tpu.memory_space<semaphore_mem>>)
        %dma_wait3A_88 = arith.constant 0 : i32
        %dma_wait3A_89 = arith.constant 0 : i32
        %dma_wait3A_90 = tpu.memref_slice %arg2[%dma_wait3A_88, %dma_wait3A_89] : memref<1048576x64xf32, #tpu.memory_space<hbm>> -> memref<256x64xf32, #tpu.memory_space<hbm>>
        %dma_wait3A_91 = arith.constant 0 : i32
        %dma_wait3A_92 = arith.constant 0 : i32
        %dma_wait3A_93 = tpu.memref_slice %arg2[%dma_wait3A_91, %dma_wait3A_92] : memref<1048576x64xf32, #tpu.memory_space<hbm>> -> memref<256x64xf32, #tpu.memory_space<hbm>>
        tpu.wait_dma2 semaphore(%arg9 : memref<!tpu.dma_semaphore, #tpu.memory_space<semaphore_mem>>) src(%dma_wait3A_93 : memref<256x64xf32, #tpu.memory_space<hbm>>) dst(%arg6 : memref<256x64xf32, #tpu.memory_space<vmem>>)
        %mul3A_94 = arith.constant 2 : i32
        %mul3A_95 = arith.muli %mul3A_94, %while3A_67 : i32
        %mul3A_96 = arith.constant 256 : i32
        %mul3A_97 = arith.muli %mul3A_95, %mul3A_96 : i32
        %add3A_98 = arith.addi %and3A_23, %mul3A_97 : i32
        %min3A_99 = arith.constant 1048320 : i32
        %min3A_100 = arith.minsi %add3A_98, %min3A_99 : i32
        %multiple_of3A_101 = tpu.assume_multiple %min3A_100, 8 : i32
        %add3A_102 = arith.constant 1 : i32
        %add3A_103 = arith.addi %mul3A_95, %add3A_102 : i32
        %mul3A_104 = arith.constant 256 : i32
        %mul3A_105 = arith.muli %add3A_103, %mul3A_104 : i32
        %add3A_106 = arith.addi %and3A_23, %mul3A_105 : i32
        %min3A_107 = arith.minsi %add3A_106, %squeeze3A_22 : i32
        %scan3A_108 = arith.constant 0 : i32
        %scan3A_109 = arith.constant 0 : i32
        %scan3A_110 = arith.constant 16 : i32
        %scan3A_111 = arith.addi %scan3A_109, %scan3A_110 : i32
        %scan3A_112 = arith.constant 1 : i32
        %scan3A_113 = scf.for %scan3A_187 = %scan3A_109 to %scan3A_111 step %scan3A_112 iter_args(%scan3A_188 = %scan3A_108) -> (i32)  : i32 {
          %add3A_189 = arith.constant 1 : i32
          %add3A_190 = arith.addi %mul3A_15, %add3A_189 : i32
          %mul3A_191 = arith.constant 16 : i32
          %mul3A_192 = arith.muli %scan3A_187, %mul3A_191 : i32
          %add3A_193 = arith.addi %add3A_190, %mul3A_192 : i32
          %get3A_194 = arith.index_cast %add3A_193 : i32 to index
          %get3A_195 = tpu.vector_load %arg5[%get3A_194] {strides = array<i32>} : memref<2064xi32, #tpu.memory_space<vmem>>, vector<16xi32>,
          %le3A = vector.broadcast %min3A_107 : i32 to vector<16xi32>
          %le3A_196 = arith.cmpi sle, %get3A_195, %le3A : vector<16xi32>
          %all_reduce_population_count3A = tpu.all_reduce %le3A_196 {dim = 0 : i64, kind = #tpu.reduction_kind<sum>} : vector<16xi1> -> vector<16xi32>
          %slice3A_197 = vector.extract_strided_slice %all_reduce_population_count3A {offsets = [0], sizes = [1], strides = [1]} : vector<16xi32> to vector<1xi32>
          %squeeze3A_198 = vector.extract %slice3A_197[0] : i32 from vector<1xi32>
          %add3A_199 = arith.addi %scan3A_188, %squeeze3A_198 : i32
          scf.yield %add3A_199 : i32
        }
        %scan3A_114 = arith.constant 16 : i32
        %sub3A_115 = arith.subi %while3A_68, %mul3A_15 : i32
        %sub3A_116 = arith.subi %scan3A_113, %sub3A_115 : i32
        %while3A_117 = arith.constant 0 : i32
        %while3A_118 = arith.subi %sub3A_116, %while3A_117 : i32
        %while3A_119 = arith.addi %while3A_117, %while3A_118 : i32
        %while3A_120 = arith.constant 1 : i32
        %while3A_121 = arith.divsi %while3A_118, %while3A_120 : i32
        %while3A_122 = arith.muli %while3A_121, %while3A_120 : i32
        %while3A_123 = arith.addi %while3A_117, %while3A_122 : i32
        %while3A_124 = arith.constant 1 : i32
        %while3A_125:6 = scf.for %while3A_187 = %while3A_117 to %while3A_123 step %while3A_124 iter_args(%while3A_188 = %while3A_68, %while3A_189 = %while3A_69, %while3A_190 = %while3A_70, %while3A_191 = %while3A_71, %while3A_192 = %while3A_72, %while3A_193 = %while3A_73) -> (i32, i32, vector<16xf32>, vector<16xf32>, vector<16xf32>, vector<16xf32>)  : i32 {
          %add3A_194 = arith.constant 1 : i32
          %add3A_195 = arith.addi %while3A_188, %add3A_194 : i32
          %get3A_196 = arith.index_cast %add3A_195 : i32 to index
          %get3A_197 = tpu.vector_load %arg5[%get3A_196] {strides = array<i32>} : memref<2064xi32, #tpu.memory_space<vmem>>, vector<16xi32>,
          %slice3A_198 = vector.extract_strided_slice %get3A_197 {offsets = [0], sizes = [1], strides = [1]} : vector<16xi32> to vector<1xi32>
          %squeeze3A_199 = vector.extract %slice3A_198[0] : i32 from vector<1xi32>
          %parallel_loop3A_200 = arith.constant 1 : i32
          %parallel_loop3A_201:4 = scf.for %parallel_loop3A_216 = %while3A_189 to %squeeze3A_199 step %parallel_loop3A_200 iter_args(%parallel_loop3A_217 = %while3A_190, %parallel_loop3A_218 = %while3A_191, %parallel_loop3A_219 = %while3A_192, %parallel_loop3A_220 = %while3A_193) -> (vector<16xf32>, vector<16xf32>, vector<16xf32>, vector<16xf32>)  : i32 {
            %parallel_loop3A_221 = arith.subi %parallel_loop3A_216, %multiple_of3A_101 : i32
            %parallel_loop3A_222 = arith.index_cast %parallel_loop3A_221 : i32 to index
            %parallel_loop3A_223 = arith.constant 0 : index
            %parallel_loop3A_224 = tpu.vector_load %arg6[%parallel_loop3A_222, %parallel_loop3A_223] {strides = array<i32>} : memref<256x64xf32, #tpu.memory_space<vmem>>, vector<16xf32>,
            %parallel_loop3A_225 = arith.addf %parallel_loop3A_217, %parallel_loop3A_224 : vector<16xf32>
            %parallel_loop3A_226 = arith.index_cast %parallel_loop3A_221 : i32 to index
            %parallel_loop3A_227 = arith.constant 16 : index
            %parallel_loop3A_228 = tpu.vector_load %arg6[%parallel_loop3A_226, %parallel_loop3A_227] {strides = array<i32>} : memref<256x64xf32, #tpu.memory_space<vmem>>, vector<16xf32>,
            %parallel_loop3A_229 = arith.addf %parallel_loop3A_218, %parallel_loop3A_228 : vector<16xf32>
            %parallel_loop3A_230 = arith.index_cast %parallel_loop3A_221 : i32 to index
            %parallel_loop3A_231 = arith.constant 32 : index
            %parallel_loop3A_232 = tpu.vector_load %arg6[%parallel_loop3A_230, %parallel_loop3A_231] {strides = array<i32>} : memref<256x64xf32, #tpu.memory_space<vmem>>, vector<16xf32>,
            %parallel_loop3A_233 = arith.addf %parallel_loop3A_219, %parallel_loop3A_232 : vector<16xf32>
            %parallel_loop3A_234 = arith.index_cast %parallel_loop3A_221 : i32 to index
            %parallel_loop3A_235 = arith.constant 48 : index
            %parallel_loop3A_236 = tpu.vector_load %arg6[%parallel_loop3A_234, %parallel_loop3A_235] {strides = array<i32>} : memref<256x64xf32, #tpu.memory_space<vmem>>, vector<16xf32>,
            %parallel_loop3A_237 = arith.addf %parallel_loop3A_220, %parallel_loop3A_236 : vector<16xf32>
            scf.yield %parallel_loop3A_225, %parallel_loop3A_229, %parallel_loop3A_233, %parallel_loop3A_237 : vector<16xf32>, vector<16xf32>, vector<16xf32>, vector<16xf32>
          } {sc.loop_unroll_factor = 4 : i64, sc.parallel_access}
          %sub3A_202 = arith.subi %while3A_188, %mul3A_15 : i32
          %swap3A = arith.index_cast %sub3A_202 : i32 to index
          %swap3A_203 = arith.constant 0 : index
          %swap3A_204 = tpu.vector_load %arg8[%swap3A, %swap3A_203] {strides = array<i32>} : memref<256x64xf32, #tpu.memory_space<vmem>>, vector<16xf32>,
          tpu.vector_store %arg8[%swap3A, %swap3A_203], %parallel_loop3A_201#0 {strides = array<i32>} : memref<256x64xf32, #tpu.memory_space<vmem>>, vector<16xf32>,
          %swap3A_205 = arith.index_cast %sub3A_202 : i32 to index
          %swap3A_206 = arith.constant 16 : index
          %swap3A_207 = tpu.vector_load %arg8[%swap3A_205, %swap3A_206] {strides = array<i32>} : memref<256x64xf32, #tpu.memory_space<vmem>>, vector<16xf32>,
          tpu.vector_store %arg8[%swap3A_205, %swap3A_206], %parallel_loop3A_201#1 {strides = array<i32>} : memref<256x64xf32, #tpu.memory_space<vmem>>, vector<16xf32>,
          %swap3A_208 = arith.index_cast %sub3A_202 : i32 to index
          %swap3A_209 = arith.constant 32 : index
          %swap3A_210 = tpu.vector_load %arg8[%swap3A_208, %swap3A_209] {strides = array<i32>} : memref<256x64xf32, #tpu.memory_space<vmem>>, vector<16xf32>,
          tpu.vector_store %arg8[%swap3A_208, %swap3A_209], %parallel_loop3A_201#2 {strides = array<i32>} : memref<256x64xf32, #tpu.memory_space<vmem>>, vector<16xf32>,
          %swap3A_211 = arith.index_cast %sub3A_202 : i32 to index
          %swap3A_212 = arith.constant 48 : index
          %swap3A_213 = tpu.vector_load %arg8[%swap3A_211, %swap3A_212] {strides = array<i32>} : memref<256x64xf32, #tpu.memory_space<vmem>>, vector<16xf32>,
          tpu.vector_store %arg8[%swap3A_211, %swap3A_212], %parallel_loop3A_201#3 {strides = array<i32>} : memref<256x64xf32, #tpu.memory_space<vmem>>, vector<16xf32>,
          %add3A_214 = arith.constant 1 : i32
          %add3A_215 = arith.addi %while3A_188, %add3A_214 : i32
          scf.yield %add3A_215, %squeeze3A_199, %broadcast_in_dim3A_5, %broadcast_in_dim3A_5, %broadcast_in_dim3A_5, %broadcast_in_dim3A_5 : i32, i32, vector<16xf32>, vector<16xf32>, vector<16xf32>, vector<16xf32>
        }
        %while3A_126 = arith.constant 1 : i32
        %while3A_127:6 = scf.for %while3A_187 = %while3A_123 to %while3A_119 step %while3A_126 iter_args(%while3A_188 = %while3A_125#0, %while3A_189 = %while3A_125#1, %while3A_190 = %while3A_125#2, %while3A_191 = %while3A_125#3, %while3A_192 = %while3A_125#4, %while3A_193 = %while3A_125#5) -> (i32, i32, vector<16xf32>, vector<16xf32>, vector<16xf32>, vector<16xf32>)  : i32 {
          %add3A_194 = arith.constant 1 : i32
          %add3A_195 = arith.addi %while3A_188, %add3A_194 : i32
          %get3A_196 = arith.index_cast %add3A_195 : i32 to index
          %get3A_197 = tpu.vector_load %arg5[%get3A_196] {strides = array<i32>} : memref<2064xi32, #tpu.memory_space<vmem>>, vector<16xi32>,
          %slice3A_198 = vector.extract_strided_slice %get3A_197 {offsets = [0], sizes = [1], strides = [1]} : vector<16xi32> to vector<1xi32>
          %squeeze3A_199 = vector.extract %slice3A_198[0] : i32 from vector<1xi32>
          %parallel_loop3A_200 = arith.constant 1 : i32
          %parallel_loop3A_201:4 = scf.for %parallel_loop3A_216 = %while3A_189 to %squeeze3A_199 step %parallel_loop3A_200 iter_args(%parallel_loop3A_217 = %while3A_190, %parallel_loop3A_218 = %while3A_191, %parallel_loop3A_219 = %while3A_192, %parallel_loop3A_220 = %while3A_193) -> (vector<16xf32>, vector<16xf32>, vector<16xf32>, vector<16xf32>)  : i32 {
            %parallel_loop3A_221 = arith.subi %parallel_loop3A_216, %multiple_of3A_101 : i32
            %parallel_loop3A_222 = arith.index_cast %parallel_loop3A_221 : i32 to index
            %parallel_loop3A_223 = arith.constant 0 : index
            %parallel_loop3A_224 = tpu.vector_load %arg6[%parallel_loop3A_222, %parallel_loop3A_223] {strides = array<i32>} : memref<256x64xf32, #tpu.memory_space<vmem>>, vector<16xf32>,
            %parallel_loop3A_225 = arith.addf %parallel_loop3A_217, %parallel_loop3A_224 : vector<16xf32>
            %parallel_loop3A_226 = arith.index_cast %parallel_loop3A_221 : i32 to index
            %parallel_loop3A_227 = arith.constant 16 : index
            %parallel_loop3A_228 = tpu.vector_load %arg6[%parallel_loop3A_226, %parallel_loop3A_227] {strides = array<i32>} : memref<256x64xf32, #tpu.memory_space<vmem>>, vector<16xf32>,
            %parallel_loop3A_229 = arith.addf %parallel_loop3A_218, %parallel_loop3A_228 : vector<16xf32>
            %parallel_loop3A_230 = arith.index_cast %parallel_loop3A_221 : i32 to index
            %parallel_loop3A_231 = arith.constant 32 : index
            %parallel_loop3A_232 = tpu.vector_load %arg6[%parallel_loop3A_230, %parallel_loop3A_231] {strides = array<i32>} : memref<256x64xf32, #tpu.memory_space<vmem>>, vector<16xf32>,
            %parallel_loop3A_233 = arith.addf %parallel_loop3A_219, %parallel_loop3A_232 : vector<16xf32>
            %parallel_loop3A_234 = arith.index_cast %parallel_loop3A_221 : i32 to index
            %parallel_loop3A_235 = arith.constant 48 : index
            %parallel_loop3A_236 = tpu.vector_load %arg6[%parallel_loop3A_234, %parallel_loop3A_235] {strides = array<i32>} : memref<256x64xf32, #tpu.memory_space<vmem>>, vector<16xf32>,
            %parallel_loop3A_237 = arith.addf %parallel_loop3A_220, %parallel_loop3A_236 : vector<16xf32>
            scf.yield %parallel_loop3A_225, %parallel_loop3A_229, %parallel_loop3A_233, %parallel_loop3A_237 : vector<16xf32>, vector<16xf32>, vector<16xf32>, vector<16xf32>
          } {sc.loop_unroll_factor = 4 : i64, sc.parallel_access}
          %sub3A_202 = arith.subi %while3A_188, %mul3A_15 : i32
          %swap3A = arith.index_cast %sub3A_202 : i32 to index
          %swap3A_203 = arith.constant 0 : index
          %swap3A_204 = tpu.vector_load %arg8[%swap3A, %swap3A_203] {strides = array<i32>} : memref<256x64xf32, #tpu.memory_space<vmem>>, vector<16xf32>,
          tpu.vector_store %arg8[%swap3A, %swap3A_203], %parallel_loop3A_201#0 {strides = array<i32>} : memref<256x64xf32, #tpu.memory_space<vmem>>, vector<16xf32>,
          %swap3A_205 = arith.index_cast %sub3A_202 : i32 to index
          %swap3A_206 = arith.constant 16 : index
          %swap3A_207 = tpu.vector_load %arg8[%swap3A_205, %swap3A_206] {strides = array<i32>} : memref<256x64xf32, #tpu.memory_space<vmem>>, vector<16xf32>,
          tpu.vector_store %arg8[%swap3A_205, %swap3A_206], %parallel_loop3A_201#1 {strides = array<i32>} : memref<256x64xf32, #tpu.memory_space<vmem>>, vector<16xf32>,
          %swap3A_208 = arith.index_cast %sub3A_202 : i32 to index
          %swap3A_209 = arith.constant 32 : index
          %swap3A_210 = tpu.vector_load %arg8[%swap3A_208, %swap3A_209] {strides = array<i32>} : memref<256x64xf32, #tpu.memory_space<vmem>>, vector<16xf32>,
          tpu.vector_store %arg8[%swap3A_208, %swap3A_209], %parallel_loop3A_201#2 {strides = array<i32>} : memref<256x64xf32, #tpu.memory_space<vmem>>, vector<16xf32>,
          %swap3A_211 = arith.index_cast %sub3A_202 : i32 to index
          %swap3A_212 = arith.constant 48 : index
          %swap3A_213 = tpu.vector_load %arg8[%swap3A_211, %swap3A_212] {strides = array<i32>} : memref<256x64xf32, #tpu.memory_space<vmem>>, vector<16xf32>,
          tpu.vector_store %arg8[%swap3A_211, %swap3A_212], %parallel_loop3A_201#3 {strides = array<i32>} : memref<256x64xf32, #tpu.memory_space<vmem>>, vector<16xf32>,
          %add3A_214 = arith.constant 1 : i32
          %add3A_215 = arith.addi %while3A_188, %add3A_214 : i32
          scf.yield %add3A_215, %squeeze3A_199, %broadcast_in_dim3A_5, %broadcast_in_dim3A_5, %broadcast_in_dim3A_5, %broadcast_in_dim3A_5 : i32, i32, vector<16xf32>, vector<16xf32>, vector<16xf32>, vector<16xf32>
        }
        %parallel_loop3A = arith.constant 1 : i32
        %parallel_loop3A_128:4 = scf.for %parallel_loop3A_187 = %while3A_127#1 to %min3A_107 step %parallel_loop3A iter_args(%parallel_loop3A_188 = %while3A_127#2, %parallel_loop3A_189 = %while3A_127#3, %parallel_loop3A_190 = %while3A_127#4, %parallel_loop3A_191 = %while3A_127#5) -> (vector<16xf32>, vector<16xf32>, vector<16xf32>, vector<16xf32>)  : i32 {
          %parallel_loop3A_192 = arith.subi %parallel_loop3A_187, %multiple_of3A_101 : i32
          %parallel_loop3A_193 = arith.index_cast %parallel_loop3A_192 : i32 to index
          %parallel_loop3A_194 = arith.constant 0 : index
          %parallel_loop3A_195 = tpu.vector_load %arg6[%parallel_loop3A_193, %parallel_loop3A_194] {strides = array<i32>} : memref<256x64xf32, #tpu.memory_space<vmem>>, vector<16xf32>,
          %parallel_loop3A_196 = arith.addf %parallel_loop3A_188, %parallel_loop3A_195 : vector<16xf32>
          %parallel_loop3A_197 = arith.index_cast %parallel_loop3A_192 : i32 to index
          %parallel_loop3A_198 = arith.constant 16 : index
          %parallel_loop3A_199 = tpu.vector_load %arg6[%parallel_loop3A_197, %parallel_loop3A_198] {strides = array<i32>} : memref<256x64xf32, #tpu.memory_space<vmem>>, vector<16xf32>,
          %parallel_loop3A_200 = arith.addf %parallel_loop3A_189, %parallel_loop3A_199 : vector<16xf32>
          %parallel_loop3A_201 = arith.index_cast %parallel_loop3A_192 : i32 to index
          %parallel_loop3A_202 = arith.constant 32 : index
          %parallel_loop3A_203 = tpu.vector_load %arg6[%parallel_loop3A_201, %parallel_loop3A_202] {strides = array<i32>} : memref<256x64xf32, #tpu.memory_space<vmem>>, vector<16xf32>,
          %parallel_loop3A_204 = arith.addf %parallel_loop3A_190, %parallel_loop3A_203 : vector<16xf32>
          %parallel_loop3A_205 = arith.index_cast %parallel_loop3A_192 : i32 to index
          %parallel_loop3A_206 = arith.constant 48 : index
          %parallel_loop3A_207 = tpu.vector_load %arg6[%parallel_loop3A_205, %parallel_loop3A_206] {strides = array<i32>} : memref<256x64xf32, #tpu.memory_space<vmem>>, vector<16xf32>,
          %parallel_loop3A_208 = arith.addf %parallel_loop3A_191, %parallel_loop3A_207 : vector<16xf32>
          scf.yield %parallel_loop3A_196, %parallel_loop3A_200, %parallel_loop3A_204, %parallel_loop3A_208 : vector<16xf32>, vector<16xf32>, vector<16xf32>, vector<16xf32>
        } {sc.loop_unroll_factor = 4 : i64, sc.parallel_access}
        %mul3A_129 = arith.constant 2 : i32
        %mul3A_130 = arith.muli %mul3A_129, %while3A_67 : i32
        %add3A_131 = arith.constant 2 : i32
        %add3A_132 = arith.addi %mul3A_130, %add3A_131 : i32
        %mul3A_133 = arith.constant 256 : i32
        %mul3A_134 = arith.muli %add3A_132, %mul3A_133 : i32
        %add3A_135 = arith.addi %and3A_23, %mul3A_134 : i32
        %min3A_136 = arith.constant 1048320 : i32
        %min3A_137 = arith.minsi %add3A_135, %min3A_136 : i32
        %multiple_of3A_138 = tpu.assume_multiple %min3A_137, 8 : i32
        %dma_start3A_139 = arith.constant 0 : i32
        %dma_start3A_140 = tpu.memref_slice %arg2[%multiple_of3A_138, %dma_start3A_139] : memref<1048576x64xf32, #tpu.memory_space<hbm>> -> memref<256x64xf32, #tpu.memory_space<hbm>>
        %dma_start3A_141 = arith.constant 0 : i32
        %dma_start3A_142 = tpu.memref_slice %arg2[%multiple_of3A_138, %dma_start3A_141] : memref<1048576x64xf32, #tpu.memory_space<hbm>> -> memref<256x64xf32, #tpu.memory_space<hbm>>
        tpu.enqueue_dma source(%dma_start3A_142 : memref<256x64xf32, #tpu.memory_space<hbm>>) target(%arg6 : memref<256x64xf32, #tpu.memory_space<vmem>>) target_semaphore(%arg9 : memref<!tpu.dma_semaphore, #tpu.memory_space<semaphore_mem>>)
        %dma_wait3A_143 = arith.constant 0 : i32
        %dma_wait3A_144 = arith.constant 0 : i32
        %dma_wait3A_145 = tpu.memref_slice %arg2[%dma_wait3A_143, %dma_wait3A_144] : memref<1048576x64xf32, #tpu.memory_space<hbm>> -> memref<256x64xf32, #tpu.memory_space<hbm>>
        %dma_wait3A_146 = arith.constant 0 : i32
        %dma_wait3A_147 = arith.constant 0 : i32
        %dma_wait3A_148 = tpu.memref_slice %arg2[%dma_wait3A_146, %dma_wait3A_147] : memref<1048576x64xf32, #tpu.memory_space<hbm>> -> memref<256x64xf32, #tpu.memory_space<hbm>>
        tpu.wait_dma2 semaphore(%arg10 : memref<!tpu.dma_semaphore, #tpu.memory_space<semaphore_mem>>) src(%dma_wait3A_148 : memref<256x64xf32, #tpu.memory_space<hbm>>) dst(%arg7 : memref<256x64xf32, #tpu.memory_space<vmem>>)
        %mul3A_149 = arith.constant 2 : i32
        %mul3A_150 = arith.muli %mul3A_149, %while3A_67 : i32
        %add3A_151 = arith.constant 1 : i32
        %add3A_152 = arith.addi %mul3A_150, %add3A_151 : i32
        %mul3A_153 = arith.constant 256 : i32
        %mul3A_154 = arith.muli %add3A_152, %mul3A_153 : i32
        %add3A_155 = arith.addi %and3A_23, %mul3A_154 : i32
        %min3A_156 = arith.constant 1048320 : i32
        %min3A_157 = arith.minsi %add3A_155, %min3A_156 : i32
        %multiple_of3A_158 = tpu.assume_multiple %min3A_157, 8 : i32
        %add3A_159 = arith.constant 1 : i32
        %add3A_160 = arith.addi %add3A_152, %add3A_159 : i32
        %mul3A_161 = arith.constant 256 : i32
        %mul3A_162 = arith.muli %add3A_160, %mul3A_161 : i32
        %add3A_163 = arith.addi %and3A_23, %mul3A_162 : i32
        %min3A_164 = arith.minsi %add3A_163, %squeeze3A_22 : i32
        %scan3A_165 = arith.constant 0 : i32
        %scan3A_166 = arith.constant 0 : i32
        %scan3A_167 = arith.constant 16 : i32
        %scan3A_168 = arith.addi %scan3A_166, %scan3A_167 : i32
        %scan3A_169 = arith.constant 1 : i32
        %scan3A_170 = scf.for %scan3A_187 = %scan3A_166 to %scan3A_168 step %scan3A_169 iter_args(%scan3A_188 = %scan3A_165) -> (i32)  : i32 {
          %add3A_189 = arith.constant 1 : i32
          %add3A_190 = arith.addi %mul3A_15, %add3A_189 : i32
          %mul3A_191 = arith.constant 16 : i32
          %mul3A_192 = arith.muli %scan3A_187, %mul3A_191 : i32
          %add3A_193 = arith.addi %add3A_190, %mul3A_192 : i32
          %get3A_194 = arith.index_cast %add3A_193 : i32 to index
          %get3A_195 = tpu.vector_load %arg5[%get3A_194] {strides = array<i32>} : memref<2064xi32, #tpu.memory_space<vmem>>, vector<16xi32>,
          %le3A = vector.broadcast %min3A_164 : i32 to vector<16xi32>
          %le3A_196 = arith.cmpi sle, %get3A_195, %le3A : vector<16xi32>
          %all_reduce_population_count3A = tpu.all_reduce %le3A_196 {dim = 0 : i64, kind = #tpu.reduction_kind<sum>} : vector<16xi1> -> vector<16xi32>
          %slice3A_197 = vector.extract_strided_slice %all_reduce_population_count3A {offsets = [0], sizes = [1], strides = [1]} : vector<16xi32> to vector<1xi32>
          %squeeze3A_198 = vector.extract %slice3A_197[0] : i32 from vector<1xi32>
          %add3A_199 = arith.addi %scan3A_188, %squeeze3A_198 : i32
          scf.yield %add3A_199 : i32
        }
        %scan3A_171 = arith.constant 16 : i32
        %sub3A_172 = arith.subi %while3A_127#0, %mul3A_15 : i32
        %sub3A_173 = arith.subi %scan3A_170, %sub3A_172 : i32
        %while3A_174 = arith.constant 0 : i32
        %while3A_175 = arith.subi %sub3A_173, %while3A_174 : i32
        %while3A_176 = arith.addi %while3A_174, %while3A_175 : i32
        %while3A_177 = arith.constant 1 : i32
        %while3A_178 = arith.divsi %while3A_175, %while3A_177 : i32
        %while3A_179 = arith.muli %while3A_178, %while3A_177 : i32
        %while3A_180 = arith.addi %while3A_174, %while3A_179 : i32
        %while3A_181 = arith.constant 1 : i32
        %while3A_182:6 = scf.for %while3A_187 = %while3A_174 to %while3A_180 step %while3A_181 iter_args(%while3A_188 = %while3A_127#0, %while3A_189 = %min3A_107, %while3A_190 = %parallel_loop3A_128#0, %while3A_191 = %parallel_loop3A_128#1, %while3A_192 = %parallel_loop3A_128#2, %while3A_193 = %parallel_loop3A_128#3) -> (i32, i32, vector<16xf32>, vector<16xf32>, vector<16xf32>, vector<16xf32>)  : i32 {
          %add3A_194 = arith.constant 1 : i32
          %add3A_195 = arith.addi %while3A_188, %add3A_194 : i32
          %get3A_196 = arith.index_cast %add3A_195 : i32 to index
          %get3A_197 = tpu.vector_load %arg5[%get3A_196] {strides = array<i32>} : memref<2064xi32, #tpu.memory_space<vmem>>, vector<16xi32>,
          %slice3A_198 = vector.extract_strided_slice %get3A_197 {offsets = [0], sizes = [1], strides = [1]} : vector<16xi32> to vector<1xi32>
          %squeeze3A_199 = vector.extract %slice3A_198[0] : i32 from vector<1xi32>
          %parallel_loop3A_200 = arith.constant 1 : i32
          %parallel_loop3A_201:4 = scf.for %parallel_loop3A_216 = %while3A_189 to %squeeze3A_199 step %parallel_loop3A_200 iter_args(%parallel_loop3A_217 = %while3A_190, %parallel_loop3A_218 = %while3A_191, %parallel_loop3A_219 = %while3A_192, %parallel_loop3A_220 = %while3A_193) -> (vector<16xf32>, vector<16xf32>, vector<16xf32>, vector<16xf32>)  : i32 {
            %parallel_loop3A_221 = arith.subi %parallel_loop3A_216, %multiple_of3A_158 : i32
            %parallel_loop3A_222 = arith.index_cast %parallel_loop3A_221 : i32 to index
            %parallel_loop3A_223 = arith.constant 0 : index
            %parallel_loop3A_224 = tpu.vector_load %arg7[%parallel_loop3A_222, %parallel_loop3A_223] {strides = array<i32>} : memref<256x64xf32, #tpu.memory_space<vmem>>, vector<16xf32>,
            %parallel_loop3A_225 = arith.addf %parallel_loop3A_217, %parallel_loop3A_224 : vector<16xf32>
            %parallel_loop3A_226 = arith.index_cast %parallel_loop3A_221 : i32 to index
            %parallel_loop3A_227 = arith.constant 16 : index
            %parallel_loop3A_228 = tpu.vector_load %arg7[%parallel_loop3A_226, %parallel_loop3A_227] {strides = array<i32>} : memref<256x64xf32, #tpu.memory_space<vmem>>, vector<16xf32>,
            %parallel_loop3A_229 = arith.addf %parallel_loop3A_218, %parallel_loop3A_228 : vector<16xf32>
            %parallel_loop3A_230 = arith.index_cast %parallel_loop3A_221 : i32 to index
            %parallel_loop3A_231 = arith.constant 32 : index
            %parallel_loop3A_232 = tpu.vector_load %arg7[%parallel_loop3A_230, %parallel_loop3A_231] {strides = array<i32>} : memref<256x64xf32, #tpu.memory_space<vmem>>, vector<16xf32>,
            %parallel_loop3A_233 = arith.addf %parallel_loop3A_219, %parallel_loop3A_232 : vector<16xf32>
            %parallel_loop3A_234 = arith.index_cast %parallel_loop3A_221 : i32 to index
            %parallel_loop3A_235 = arith.constant 48 : index
            %parallel_loop3A_236 = tpu.vector_load %arg7[%parallel_loop3A_234, %parallel_loop3A_235] {strides = array<i32>} : memref<256x64xf32, #tpu.memory_space<vmem>>, vector<16xf32>,
            %parallel_loop3A_237 = arith.addf %parallel_loop3A_220, %parallel_loop3A_236 : vector<16xf32>
            scf.yield %parallel_loop3A_225, %parallel_loop3A_229, %parallel_loop3A_233, %parallel_loop3A_237 : vector<16xf32>, vector<16xf32>, vector<16xf32>, vector<16xf32>
          } {sc.loop_unroll_factor = 4 : i64, sc.parallel_access}
          %sub3A_202 = arith.subi %while3A_188, %mul3A_15 : i32
          %swap3A = arith.index_cast %sub3A_202 : i32 to index
          %swap3A_203 = arith.constant 0 : index
          %swap3A_204 = tpu.vector_load %arg8[%swap3A, %swap3A_203] {strides = array<i32>} : memref<256x64xf32, #tpu.memory_space<vmem>>, vector<16xf32>,
          tpu.vector_store %arg8[%swap3A, %swap3A_203], %parallel_loop3A_201#0 {strides = array<i32>} : memref<256x64xf32, #tpu.memory_space<vmem>>, vector<16xf32>,
          %swap3A_205 = arith.index_cast %sub3A_202 : i32 to index
          %swap3A_206 = arith.constant 16 : index
          %swap3A_207 = tpu.vector_load %arg8[%swap3A_205, %swap3A_206] {strides = array<i32>} : memref<256x64xf32, #tpu.memory_space<vmem>>, vector<16xf32>,
          tpu.vector_store %arg8[%swap3A_205, %swap3A_206], %parallel_loop3A_201#1 {strides = array<i32>} : memref<256x64xf32, #tpu.memory_space<vmem>>, vector<16xf32>,
          %swap3A_208 = arith.index_cast %sub3A_202 : i32 to index
          %swap3A_209 = arith.constant 32 : index
          %swap3A_210 = tpu.vector_load %arg8[%swap3A_208, %swap3A_209] {strides = array<i32>} : memref<256x64xf32, #tpu.memory_space<vmem>>, vector<16xf32>,
          tpu.vector_store %arg8[%swap3A_208, %swap3A_209], %parallel_loop3A_201#2 {strides = array<i32>} : memref<256x64xf32, #tpu.memory_space<vmem>>, vector<16xf32>,
          %swap3A_211 = arith.index_cast %sub3A_202 : i32 to index
          %swap3A_212 = arith.constant 48 : index
          %swap3A_213 = tpu.vector_load %arg8[%swap3A_211, %swap3A_212] {strides = array<i32>} : memref<256x64xf32, #tpu.memory_space<vmem>>, vector<16xf32>,
          tpu.vector_store %arg8[%swap3A_211, %swap3A_212], %parallel_loop3A_201#3 {strides = array<i32>} : memref<256x64xf32, #tpu.memory_space<vmem>>, vector<16xf32>,
          %add3A_214 = arith.constant 1 : i32
          %add3A_215 = arith.addi %while3A_188, %add3A_214 : i32
          scf.yield %add3A_215, %squeeze3A_199, %broadcast_in_dim3A_5, %broadcast_in_dim3A_5, %broadcast_in_dim3A_5, %broadcast_in_dim3A_5 : i32, i32, vector<16xf32>, vector<16xf32>, vector<16xf32>, vector<16xf32>
        }
        %while3A_183 = arith.constant 1 : i32
        %while3A_184:6 = scf.for %while3A_187 = %while3A_180 to %while3A_176 step %while3A_183 iter_args(%while3A_188 = %while3A_182#0, %while3A_189 = %while3A_182#1, %while3A_190 = %while3A_182#2, %while3A_191 = %while3A_182#3, %while3A_192 = %while3A_182#4, %while3A_193 = %while3A_182#5) -> (i32, i32, vector<16xf32>, vector<16xf32>, vector<16xf32>, vector<16xf32>)  : i32 {
          %add3A_194 = arith.constant 1 : i32
          %add3A_195 = arith.addi %while3A_188, %add3A_194 : i32
          %get3A_196 = arith.index_cast %add3A_195 : i32 to index
          %get3A_197 = tpu.vector_load %arg5[%get3A_196] {strides = array<i32>} : memref<2064xi32, #tpu.memory_space<vmem>>, vector<16xi32>,
          %slice3A_198 = vector.extract_strided_slice %get3A_197 {offsets = [0], sizes = [1], strides = [1]} : vector<16xi32> to vector<1xi32>
          %squeeze3A_199 = vector.extract %slice3A_198[0] : i32 from vector<1xi32>
          %parallel_loop3A_200 = arith.constant 1 : i32
          %parallel_loop3A_201:4 = scf.for %parallel_loop3A_216 = %while3A_189 to %squeeze3A_199 step %parallel_loop3A_200 iter_args(%parallel_loop3A_217 = %while3A_190, %parallel_loop3A_218 = %while3A_191, %parallel_loop3A_219 = %while3A_192, %parallel_loop3A_220 = %while3A_193) -> (vector<16xf32>, vector<16xf32>, vector<16xf32>, vector<16xf32>)  : i32 {
            %parallel_loop3A_221 = arith.subi %parallel_loop3A_216, %multiple_of3A_158 : i32
            %parallel_loop3A_222 = arith.index_cast %parallel_loop3A_221 : i32 to index
            %parallel_loop3A_223 = arith.constant 0 : index
            %parallel_loop3A_224 = tpu.vector_load %arg7[%parallel_loop3A_222, %parallel_loop3A_223] {strides = array<i32>} : memref<256x64xf32, #tpu.memory_space<vmem>>, vector<16xf32>,
            %parallel_loop3A_225 = arith.addf %parallel_loop3A_217, %parallel_loop3A_224 : vector<16xf32>
            %parallel_loop3A_226 = arith.index_cast %parallel_loop3A_221 : i32 to index
            %parallel_loop3A_227 = arith.constant 16 : index
            %parallel_loop3A_228 = tpu.vector_load %arg7[%parallel_loop3A_226, %parallel_loop3A_227] {strides = array<i32>} : memref<256x64xf32, #tpu.memory_space<vmem>>, vector<16xf32>,
            %parallel_loop3A_229 = arith.addf %parallel_loop3A_218, %parallel_loop3A_228 : vector<16xf32>
            %parallel_loop3A_230 = arith.index_cast %parallel_loop3A_221 : i32 to index
            %parallel_loop3A_231 = arith.constant 32 : index
            %parallel_loop3A_232 = tpu.vector_load %arg7[%parallel_loop3A_230, %parallel_loop3A_231] {strides = array<i32>} : memref<256x64xf32, #tpu.memory_space<vmem>>, vector<16xf32>,
            %parallel_loop3A_233 = arith.addf %parallel_loop3A_219, %parallel_loop3A_232 : vector<16xf32>
            %parallel_loop3A_234 = arith.index_cast %parallel_loop3A_221 : i32 to index
            %parallel_loop3A_235 = arith.constant 48 : index
            %parallel_loop3A_236 = tpu.vector_load %arg7[%parallel_loop3A_234, %parallel_loop3A_235] {strides = array<i32>} : memref<256x64xf32, #tpu.memory_space<vmem>>, vector<16xf32>,
            %parallel_loop3A_237 = arith.addf %parallel_loop3A_220, %parallel_loop3A_236 : vector<16xf32>
            scf.yield %parallel_loop3A_225, %parallel_loop3A_229, %parallel_loop3A_233, %parallel_loop3A_237 : vector<16xf32>, vector<16xf32>, vector<16xf32>, vector<16xf32>
          } {sc.loop_unroll_factor = 4 : i64, sc.parallel_access}
          %sub3A_202 = arith.subi %while3A_188, %mul3A_15 : i32
          %swap3A = arith.index_cast %sub3A_202 : i32 to index
          %swap3A_203 = arith.constant 0 : index
          %swap3A_204 = tpu.vector_load %arg8[%swap3A, %swap3A_203] {strides = array<i32>} : memref<256x64xf32, #tpu.memory_space<vmem>>, vector<16xf32>,
          tpu.vector_store %arg8[%swap3A, %swap3A_203], %parallel_loop3A_201#0 {strides = array<i32>} : memref<256x64xf32, #tpu.memory_space<vmem>>, vector<16xf32>,
          %swap3A_205 = arith.index_cast %sub3A_202 : i32 to index
          %swap3A_206 = arith.constant 16 : index
          %swap3A_207 = tpu.vector_load %arg8[%swap3A_205, %swap3A_206] {strides = array<i32>} : memref<256x64xf32, #tpu.memory_space<vmem>>, vector<16xf32>,
          tpu.vector_store %arg8[%swap3A_205, %swap3A_206], %parallel_loop3A_201#1 {strides = array<i32>} : memref<256x64xf32, #tpu.memory_space<vmem>>, vector<16xf32>,
          %swap3A_208 = arith.index_cast %sub3A_202 : i32 to index
          %swap3A_209 = arith.constant 32 : index
          %swap3A_210 = tpu.vector_load %arg8[%swap3A_208, %swap3A_209] {strides = array<i32>} : memref<256x64xf32, #tpu.memory_space<vmem>>, vector<16xf32>,
          tpu.vector_store %arg8[%swap3A_208, %swap3A_209], %parallel_loop3A_201#2 {strides = array<i32>} : memref<256x64xf32, #tpu.memory_space<vmem>>, vector<16xf32>,
          %swap3A_211 = arith.index_cast %sub3A_202 : i32 to index
          %swap3A_212 = arith.constant 48 : index
          %swap3A_213 = tpu.vector_load %arg8[%swap3A_211, %swap3A_212] {strides = array<i32>} : memref<256x64xf32, #tpu.memory_space<vmem>>, vector<16xf32>,
          tpu.vector_store %arg8[%swap3A_211, %swap3A_212], %parallel_loop3A_201#3 {strides = array<i32>} : memref<256x64xf32, #tpu.memory_space<vmem>>, vector<16xf32>,
          %add3A_214 = arith.constant 1 : i32
          %add3A_215 = arith.addi %while3A_188, %add3A_214 : i32
          scf.yield %add3A_215, %squeeze3A_199, %broadcast_in_dim3A_5, %broadcast_in_dim3A_5, %broadcast_in_dim3A_5, %broadcast_in_dim3A_5 : i32, i32, vector<16xf32>, vector<16xf32>, vector<16xf32>, vector<16xf32>
        }
        %parallel_loop3A_185 = arith.constant 1 : i32
        %parallel_loop3A_186:4 = scf.for %parallel_loop3A_187 = %while3A_184#1 to %min3A_164 step %parallel_loop3A_185 iter_args(%parallel_loop3A_188 = %while3A_184#2, %parallel_loop3A_189 = %while3A_184#3, %parallel_loop3A_190 = %while3A_184#4, %parallel_loop3A_191 = %while3A_184#5) -> (vector<16xf32>, vector<16xf32>, vector<16xf32>, vector<16xf32>)  : i32 {
          %parallel_loop3A_192 = arith.subi %parallel_loop3A_187, %multiple_of3A_158 : i32
          %parallel_loop3A_193 = arith.index_cast %parallel_loop3A_192 : i32 to index
          %parallel_loop3A_194 = arith.constant 0 : index
          %parallel_loop3A_195 = tpu.vector_load %arg7[%parallel_loop3A_193, %parallel_loop3A_194] {strides = array<i32>} : memref<256x64xf32, #tpu.memory_space<vmem>>, vector<16xf32>,
          %parallel_loop3A_196 = arith.addf %parallel_loop3A_188, %parallel_loop3A_195 : vector<16xf32>
          %parallel_loop3A_197 = arith.index_cast %parallel_loop3A_192 : i32 to index
          %parallel_loop3A_198 = arith.constant 16 : index
          %parallel_loop3A_199 = tpu.vector_load %arg7[%parallel_loop3A_197, %parallel_loop3A_198] {strides = array<i32>} : memref<256x64xf32, #tpu.memory_space<vmem>>, vector<16xf32>,
          %parallel_loop3A_200 = arith.addf %parallel_loop3A_189, %parallel_loop3A_199 : vector<16xf32>
          %parallel_loop3A_201 = arith.index_cast %parallel_loop3A_192 : i32 to index
          %parallel_loop3A_202 = arith.constant 32 : index
          %parallel_loop3A_203 = tpu.vector_load %arg7[%parallel_loop3A_201, %parallel_loop3A_202] {strides = array<i32>} : memref<256x64xf32, #tpu.memory_space<vmem>>, vector<16xf32>,
          %parallel_loop3A_204 = arith.addf %parallel_loop3A_190, %parallel_loop3A_203 : vector<16xf32>
          %parallel_loop3A_205 = arith.index_cast %parallel_loop3A_192 : i32 to index
          %parallel_loop3A_206 = arith.constant 48 : index
          %parallel_loop3A_207 = tpu.vector_load %arg7[%parallel_loop3A_205, %parallel_loop3A_206] {strides = array<i32>} : memref<256x64xf32, #tpu.memory_space<vmem>>, vector<16xf32>,
          %parallel_loop3A_208 = arith.addf %parallel_loop3A_191, %parallel_loop3A_207 : vector<16xf32>
          scf.yield %parallel_loop3A_196, %parallel_loop3A_200, %parallel_loop3A_204, %parallel_loop3A_208 : vector<16xf32>, vector<16xf32>, vector<16xf32>, vector<16xf32>
        } {sc.loop_unroll_factor = 4 : i64, sc.parallel_access}
        scf.yield %while3A_184#0, %min3A_164, %parallel_loop3A_186#0, %parallel_loop3A_186#1, %parallel_loop3A_186#2, %parallel_loop3A_186#3 : i32, i32, vector<16xf32>, vector<16xf32>, vector<16xf32>, vector<16xf32>
      }
      %while3A_49 = arith.constant 1 : i32
      %while3A_50:6 = scf.for %while3A_67 = %while3A_46 to %while3A_42 step %while3A_49 iter_args(%while3A_68 = %while3A_48#0, %while3A_69 = %while3A_48#1, %while3A_70 = %while3A_48#2, %while3A_71 = %while3A_48#3, %while3A_72 = %while3A_48#4, %while3A_73 = %while3A_48#5) -> (i32, i32, vector<16xf32>, vector<16xf32>, vector<16xf32>, vector<16xf32>)  : i32 {
        %mul3A_74 = arith.constant 2 : i32
        %mul3A_75 = arith.muli %mul3A_74, %while3A_67 : i32
        %add3A_76 = arith.constant 1 : i32
        %add3A_77 = arith.addi %mul3A_75, %add3A_76 : i32
        %mul3A_78 = arith.constant 256 : i32
        %mul3A_79 = arith.muli %add3A_77, %mul3A_78 : i32
        %add3A_80 = arith.addi %and3A_23, %mul3A_79 : i32
        %min3A_81 = arith.constant 1048320 : i32
        %min3A_82 = arith.minsi %add3A_80, %min3A_81 : i32
        %multiple_of3A_83 = tpu.assume_multiple %min3A_82, 8 : i32
        %dma_start3A_84 = arith.constant 0 : i32
        %dma_start3A_85 = tpu.memref_slice %arg2[%multiple_of3A_83, %dma_start3A_84] : memref<1048576x64xf32, #tpu.memory_space<hbm>> -> memref<256x64xf32, #tpu.memory_space<hbm>>
        %dma_start3A_86 = arith.constant 0 : i32
        %dma_start3A_87 = tpu.memref_slice %arg2[%multiple_of3A_83, %dma_start3A_86] : memref<1048576x64xf32, #tpu.memory_space<hbm>> -> memref<256x64xf32, #tpu.memory_space<hbm>>
        tpu.enqueue_dma source(%dma_start3A_87 : memref<256x64xf32, #tpu.memory_space<hbm>>) target(%arg7 : memref<256x64xf32, #tpu.memory_space<vmem>>) target_semaphore(%arg10 : memref<!tpu.dma_semaphore, #tpu.memory_space<semaphore_mem>>)
        %dma_wait3A_88 = arith.constant 0 : i32
        %dma_wait3A_89 = arith.constant 0 : i32
        %dma_wait3A_90 = tpu.memref_slice %arg2[%dma_wait3A_88, %dma_wait3A_89] : memref<1048576x64xf32, #tpu.memory_space<hbm>> -> memref<256x64xf32, #tpu.memory_space<hbm>>
        %dma_wait3A_91 = arith.constant 0 : i32
        %dma_wait3A_92 = arith.constant 0 : i32
        %dma_wait3A_93 = tpu.memref_slice %arg2[%dma_wait3A_91, %dma_wait3A_92] : memref<1048576x64xf32, #tpu.memory_space<hbm>> -> memref<256x64xf32, #tpu.memory_space<hbm>>
        tpu.wait_dma2 semaphore(%arg9 : memref<!tpu.dma_semaphore, #tpu.memory_space<semaphore_mem>>) src(%dma_wait3A_93 : memref<256x64xf32, #tpu.memory_space<hbm>>) dst(%arg6 : memref<256x64xf32, #tpu.memory_space<vmem>>)
        %mul3A_94 = arith.constant 2 : i32
        %mul3A_95 = arith.muli %mul3A_94, %while3A_67 : i32
        %mul3A_96 = arith.constant 256 : i32
        %mul3A_97 = arith.muli %mul3A_95, %mul3A_96 : i32
        %add3A_98 = arith.addi %and3A_23, %mul3A_97 : i32
        %min3A_99 = arith.constant 1048320 : i32
        %min3A_100 = arith.minsi %add3A_98, %min3A_99 : i32
        %multiple_of3A_101 = tpu.assume_multiple %min3A_100, 8 : i32
        %add3A_102 = arith.constant 1 : i32
        %add3A_103 = arith.addi %mul3A_95, %add3A_102 : i32
        %mul3A_104 = arith.constant 256 : i32
        %mul3A_105 = arith.muli %add3A_103, %mul3A_104 : i32
        %add3A_106 = arith.addi %and3A_23, %mul3A_105 : i32
        %min3A_107 = arith.minsi %add3A_106, %squeeze3A_22 : i32
        %scan3A_108 = arith.constant 0 : i32
        %scan3A_109 = arith.constant 0 : i32
        %scan3A_110 = arith.constant 16 : i32
        %scan3A_111 = arith.addi %scan3A_109, %scan3A_110 : i32
        %scan3A_112 = arith.constant 1 : i32
        %scan3A_113 = scf.for %scan3A_187 = %scan3A_109 to %scan3A_111 step %scan3A_112 iter_args(%scan3A_188 = %scan3A_108) -> (i32)  : i32 {
          %add3A_189 = arith.constant 1 : i32
          %add3A_190 = arith.addi %mul3A_15, %add3A_189 : i32
          %mul3A_191 = arith.constant 16 : i32
          %mul3A_192 = arith.muli %scan3A_187, %mul3A_191 : i32
          %add3A_193 = arith.addi %add3A_190, %mul3A_192 : i32
          %get3A_194 = arith.index_cast %add3A_193 : i32 to index
          %get3A_195 = tpu.vector_load %arg5[%get3A_194] {strides = array<i32>} : memref<2064xi32, #tpu.memory_space<vmem>>, vector<16xi32>,
          %le3A = vector.broadcast %min3A_107 : i32 to vector<16xi32>
          %le3A_196 = arith.cmpi sle, %get3A_195, %le3A : vector<16xi32>
          %all_reduce_population_count3A = tpu.all_reduce %le3A_196 {dim = 0 : i64, kind = #tpu.reduction_kind<sum>} : vector<16xi1> -> vector<16xi32>
          %slice3A_197 = vector.extract_strided_slice %all_reduce_population_count3A {offsets = [0], sizes = [1], strides = [1]} : vector<16xi32> to vector<1xi32>
          %squeeze3A_198 = vector.extract %slice3A_197[0] : i32 from vector<1xi32>
          %add3A_199 = arith.addi %scan3A_188, %squeeze3A_198 : i32
          scf.yield %add3A_199 : i32
        }
        %scan3A_114 = arith.constant 16 : i32
        %sub3A_115 = arith.subi %while3A_68, %mul3A_15 : i32
        %sub3A_116 = arith.subi %scan3A_113, %sub3A_115 : i32
        %while3A_117 = arith.constant 0 : i32
        %while3A_118 = arith.subi %sub3A_116, %while3A_117 : i32
        %while3A_119 = arith.addi %while3A_117, %while3A_118 : i32
        %while3A_120 = arith.constant 1 : i32
        %while3A_121 = arith.divsi %while3A_118, %while3A_120 : i32
        %while3A_122 = arith.muli %while3A_121, %while3A_120 : i32
        %while3A_123 = arith.addi %while3A_117, %while3A_122 : i32
        %while3A_124 = arith.constant 1 : i32
        %while3A_125:6 = scf.for %while3A_187 = %while3A_117 to %while3A_123 step %while3A_124 iter_args(%while3A_188 = %while3A_68, %while3A_189 = %while3A_69, %while3A_190 = %while3A_70, %while3A_191 = %while3A_71, %while3A_192 = %while3A_72, %while3A_193 = %while3A_73) -> (i32, i32, vector<16xf32>, vector<16xf32>, vector<16xf32>, vector<16xf32>)  : i32 {
          %add3A_194 = arith.constant 1 : i32
          %add3A_195 = arith.addi %while3A_188, %add3A_194 : i32
          %get3A_196 = arith.index_cast %add3A_195 : i32 to index
          %get3A_197 = tpu.vector_load %arg5[%get3A_196] {strides = array<i32>} : memref<2064xi32, #tpu.memory_space<vmem>>, vector<16xi32>,
          %slice3A_198 = vector.extract_strided_slice %get3A_197 {offsets = [0], sizes = [1], strides = [1]} : vector<16xi32> to vector<1xi32>
          %squeeze3A_199 = vector.extract %slice3A_198[0] : i32 from vector<1xi32>
          %parallel_loop3A_200 = arith.constant 1 : i32
          %parallel_loop3A_201:4 = scf.for %parallel_loop3A_216 = %while3A_189 to %squeeze3A_199 step %parallel_loop3A_200 iter_args(%parallel_loop3A_217 = %while3A_190, %parallel_loop3A_218 = %while3A_191, %parallel_loop3A_219 = %while3A_192, %parallel_loop3A_220 = %while3A_193) -> (vector<16xf32>, vector<16xf32>, vector<16xf32>, vector<16xf32>)  : i32 {
            %parallel_loop3A_221 = arith.subi %parallel_loop3A_216, %multiple_of3A_101 : i32
            %parallel_loop3A_222 = arith.index_cast %parallel_loop3A_221 : i32 to index
            %parallel_loop3A_223 = arith.constant 0 : index
            %parallel_loop3A_224 = tpu.vector_load %arg6[%parallel_loop3A_222, %parallel_loop3A_223] {strides = array<i32>} : memref<256x64xf32, #tpu.memory_space<vmem>>, vector<16xf32>,
            %parallel_loop3A_225 = arith.addf %parallel_loop3A_217, %parallel_loop3A_224 : vector<16xf32>
            %parallel_loop3A_226 = arith.index_cast %parallel_loop3A_221 : i32 to index
            %parallel_loop3A_227 = arith.constant 16 : index
            %parallel_loop3A_228 = tpu.vector_load %arg6[%parallel_loop3A_226, %parallel_loop3A_227] {strides = array<i32>} : memref<256x64xf32, #tpu.memory_space<vmem>>, vector<16xf32>,
            %parallel_loop3A_229 = arith.addf %parallel_loop3A_218, %parallel_loop3A_228 : vector<16xf32>
            %parallel_loop3A_230 = arith.index_cast %parallel_loop3A_221 : i32 to index
            %parallel_loop3A_231 = arith.constant 32 : index
            %parallel_loop3A_232 = tpu.vector_load %arg6[%parallel_loop3A_230, %parallel_loop3A_231] {strides = array<i32>} : memref<256x64xf32, #tpu.memory_space<vmem>>, vector<16xf32>,
            %parallel_loop3A_233 = arith.addf %parallel_loop3A_219, %parallel_loop3A_232 : vector<16xf32>
            %parallel_loop3A_234 = arith.index_cast %parallel_loop3A_221 : i32 to index
            %parallel_loop3A_235 = arith.constant 48 : index
            %parallel_loop3A_236 = tpu.vector_load %arg6[%parallel_loop3A_234, %parallel_loop3A_235] {strides = array<i32>} : memref<256x64xf32, #tpu.memory_space<vmem>>, vector<16xf32>,
            %parallel_loop3A_237 = arith.addf %parallel_loop3A_220, %parallel_loop3A_236 : vector<16xf32>
            scf.yield %parallel_loop3A_225, %parallel_loop3A_229, %parallel_loop3A_233, %parallel_loop3A_237 : vector<16xf32>, vector<16xf32>, vector<16xf32>, vector<16xf32>
          } {sc.loop_unroll_factor = 4 : i64, sc.parallel_access}
          %sub3A_202 = arith.subi %while3A_188, %mul3A_15 : i32
          %swap3A = arith.index_cast %sub3A_202 : i32 to index
          %swap3A_203 = arith.constant 0 : index
          %swap3A_204 = tpu.vector_load %arg8[%swap3A, %swap3A_203] {strides = array<i32>} : memref<256x64xf32, #tpu.memory_space<vmem>>, vector<16xf32>,
          tpu.vector_store %arg8[%swap3A, %swap3A_203], %parallel_loop3A_201#0 {strides = array<i32>} : memref<256x64xf32, #tpu.memory_space<vmem>>, vector<16xf32>,
          %swap3A_205 = arith.index_cast %sub3A_202 : i32 to index
          %swap3A_206 = arith.constant 16 : index
          %swap3A_207 = tpu.vector_load %arg8[%swap3A_205, %swap3A_206] {strides = array<i32>} : memref<256x64xf32, #tpu.memory_space<vmem>>, vector<16xf32>,
          tpu.vector_store %arg8[%swap3A_205, %swap3A_206], %parallel_loop3A_201#1 {strides = array<i32>} : memref<256x64xf32, #tpu.memory_space<vmem>>, vector<16xf32>,
          %swap3A_208 = arith.index_cast %sub3A_202 : i32 to index
          %swap3A_209 = arith.constant 32 : index
          %swap3A_210 = tpu.vector_load %arg8[%swap3A_208, %swap3A_209] {strides = array<i32>} : memref<256x64xf32, #tpu.memory_space<vmem>>, vector<16xf32>,
          tpu.vector_store %arg8[%swap3A_208, %swap3A_209], %parallel_loop3A_201#2 {strides = array<i32>} : memref<256x64xf32, #tpu.memory_space<vmem>>, vector<16xf32>,
          %swap3A_211 = arith.index_cast %sub3A_202 : i32 to index
          %swap3A_212 = arith.constant 48 : index
          %swap3A_213 = tpu.vector_load %arg8[%swap3A_211, %swap3A_212] {strides = array<i32>} : memref<256x64xf32, #tpu.memory_space<vmem>>, vector<16xf32>,
          tpu.vector_store %arg8[%swap3A_211, %swap3A_212], %parallel_loop3A_201#3 {strides = array<i32>} : memref<256x64xf32, #tpu.memory_space<vmem>>, vector<16xf32>,
          %add3A_214 = arith.constant 1 : i32
          %add3A_215 = arith.addi %while3A_188, %add3A_214 : i32
          scf.yield %add3A_215, %squeeze3A_199, %broadcast_in_dim3A_5, %broadcast_in_dim3A_5, %broadcast_in_dim3A_5, %broadcast_in_dim3A_5 : i32, i32, vector<16xf32>, vector<16xf32>, vector<16xf32>, vector<16xf32>
        }
        %while3A_126 = arith.constant 1 : i32
        %while3A_127:6 = scf.for %while3A_187 = %while3A_123 to %while3A_119 step %while3A_126 iter_args(%while3A_188 = %while3A_125#0, %while3A_189 = %while3A_125#1, %while3A_190 = %while3A_125#2, %while3A_191 = %while3A_125#3, %while3A_192 = %while3A_125#4, %while3A_193 = %while3A_125#5) -> (i32, i32, vector<16xf32>, vector<16xf32>, vector<16xf32>, vector<16xf32>)  : i32 {
          %add3A_194 = arith.constant 1 : i32
          %add3A_195 = arith.addi %while3A_188, %add3A_194 : i32
          %get3A_196 = arith.index_cast %add3A_195 : i32 to index
          %get3A_197 = tpu.vector_load %arg5[%get3A_196] {strides = array<i32>} : memref<2064xi32, #tpu.memory_space<vmem>>, vector<16xi32>,
          %slice3A_198 = vector.extract_strided_slice %get3A_197 {offsets = [0], sizes = [1], strides = [1]} : vector<16xi32> to vector<1xi32>
          %squeeze3A_199 = vector.extract %slice3A_198[0] : i32 from vector<1xi32>
          %parallel_loop3A_200 = arith.constant 1 : i32
          %parallel_loop3A_201:4 = scf.for %parallel_loop3A_216 = %while3A_189 to %squeeze3A_199 step %parallel_loop3A_200 iter_args(%parallel_loop3A_217 = %while3A_190, %parallel_loop3A_218 = %while3A_191, %parallel_loop3A_219 = %while3A_192, %parallel_loop3A_220 = %while3A_193) -> (vector<16xf32>, vector<16xf32>, vector<16xf32>, vector<16xf32>)  : i32 {
            %parallel_loop3A_221 = arith.subi %parallel_loop3A_216, %multiple_of3A_101 : i32
            %parallel_loop3A_222 = arith.index_cast %parallel_loop3A_221 : i32 to index
            %parallel_loop3A_223 = arith.constant 0 : index
            %parallel_loop3A_224 = tpu.vector_load %arg6[%parallel_loop3A_222, %parallel_loop3A_223] {strides = array<i32>} : memref<256x64xf32, #tpu.memory_space<vmem>>, vector<16xf32>,
            %parallel_loop3A_225 = arith.addf %parallel_loop3A_217, %parallel_loop3A_224 : vector<16xf32>
            %parallel_loop3A_226 = arith.index_cast %parallel_loop3A_221 : i32 to index
            %parallel_loop3A_227 = arith.constant 16 : index
            %parallel_loop3A_228 = tpu.vector_load %arg6[%parallel_loop3A_226, %parallel_loop3A_227] {strides = array<i32>} : memref<256x64xf32, #tpu.memory_space<vmem>>, vector<16xf32>,
            %parallel_loop3A_229 = arith.addf %parallel_loop3A_218, %parallel_loop3A_228 : vector<16xf32>
            %parallel_loop3A_230 = arith.index_cast %parallel_loop3A_221 : i32 to index
            %parallel_loop3A_231 = arith.constant 32 : index
            %parallel_loop3A_232 = tpu.vector_load %arg6[%parallel_loop3A_230, %parallel_loop3A_231] {strides = array<i32>} : memref<256x64xf32, #tpu.memory_space<vmem>>, vector<16xf32>,
            %parallel_loop3A_233 = arith.addf %parallel_loop3A_219, %parallel_loop3A_232 : vector<16xf32>
            %parallel_loop3A_234 = arith.index_cast %parallel_loop3A_221 : i32 to index
            %parallel_loop3A_235 = arith.constant 48 : index
            %parallel_loop3A_236 = tpu.vector_load %arg6[%parallel_loop3A_234, %parallel_loop3A_235] {strides = array<i32>} : memref<256x64xf32, #tpu.memory_space<vmem>>, vector<16xf32>,
            %parallel_loop3A_237 = arith.addf %parallel_loop3A_220, %parallel_loop3A_236 : vector<16xf32>
            scf.yield %parallel_loop3A_225, %parallel_loop3A_229, %parallel_loop3A_233, %parallel_loop3A_237 : vector<16xf32>, vector<16xf32>, vector<16xf32>, vector<16xf32>
          } {sc.loop_unroll_factor = 4 : i64, sc.parallel_access}
          %sub3A_202 = arith.subi %while3A_188, %mul3A_15 : i32
          %swap3A = arith.index_cast %sub3A_202 : i32 to index
          %swap3A_203 = arith.constant 0 : index
          %swap3A_204 = tpu.vector_load %arg8[%swap3A, %swap3A_203] {strides = array<i32>} : memref<256x64xf32, #tpu.memory_space<vmem>>, vector<16xf32>,
          tpu.vector_store %arg8[%swap3A, %swap3A_203], %parallel_loop3A_201#0 {strides = array<i32>} : memref<256x64xf32, #tpu.memory_space<vmem>>, vector<16xf32>,
          %swap3A_205 = arith.index_cast %sub3A_202 : i32 to index
          %swap3A_206 = arith.constant 16 : index
          %swap3A_207 = tpu.vector_load %arg8[%swap3A_205, %swap3A_206] {strides = array<i32>} : memref<256x64xf32, #tpu.memory_space<vmem>>, vector<16xf32>,
          tpu.vector_store %arg8[%swap3A_205, %swap3A_206], %parallel_loop3A_201#1 {strides = array<i32>} : memref<256x64xf32, #tpu.memory_space<vmem>>, vector<16xf32>,
          %swap3A_208 = arith.index_cast %sub3A_202 : i32 to index
          %swap3A_209 = arith.constant 32 : index
          %swap3A_210 = tpu.vector_load %arg8[%swap3A_208, %swap3A_209] {strides = array<i32>} : memref<256x64xf32, #tpu.memory_space<vmem>>, vector<16xf32>,
          tpu.vector_store %arg8[%swap3A_208, %swap3A_209], %parallel_loop3A_201#2 {strides = array<i32>} : memref<256x64xf32, #tpu.memory_space<vmem>>, vector<16xf32>,
          %swap3A_211 = arith.index_cast %sub3A_202 : i32 to index
          %swap3A_212 = arith.constant 48 : index
          %swap3A_213 = tpu.vector_load %arg8[%swap3A_211, %swap3A_212] {strides = array<i32>} : memref<256x64xf32, #tpu.memory_space<vmem>>, vector<16xf32>,
          tpu.vector_store %arg8[%swap3A_211, %swap3A_212], %parallel_loop3A_201#3 {strides = array<i32>} : memref<256x64xf32, #tpu.memory_space<vmem>>, vector<16xf32>,
          %add3A_214 = arith.constant 1 : i32
          %add3A_215 = arith.addi %while3A_188, %add3A_214 : i32
          scf.yield %add3A_215, %squeeze3A_199, %broadcast_in_dim3A_5, %broadcast_in_dim3A_5, %broadcast_in_dim3A_5, %broadcast_in_dim3A_5 : i32, i32, vector<16xf32>, vector<16xf32>, vector<16xf32>, vector<16xf32>
        }
        %parallel_loop3A = arith.constant 1 : i32
        %parallel_loop3A_128:4 = scf.for %parallel_loop3A_187 = %while3A_127#1 to %min3A_107 step %parallel_loop3A iter_args(%parallel_loop3A_188 = %while3A_127#2, %parallel_loop3A_189 = %while3A_127#3, %parallel_loop3A_190 = %while3A_127#4, %parallel_loop3A_191 = %while3A_127#5) -> (vector<16xf32>, vector<16xf32>, vector<16xf32>, vector<16xf32>)  : i32 {
          %parallel_loop3A_192 = arith.subi %parallel_loop3A_187, %multiple_of3A_101 : i32
          %parallel_loop3A_193 = arith.index_cast %parallel_loop3A_192 : i32 to index
          %parallel_loop3A_194 = arith.constant 0 : index
          %parallel_loop3A_195 = tpu.vector_load %arg6[%parallel_loop3A_193, %parallel_loop3A_194] {strides = array<i32>} : memref<256x64xf32, #tpu.memory_space<vmem>>, vector<16xf32>,
          %parallel_loop3A_196 = arith.addf %parallel_loop3A_188, %parallel_loop3A_195 : vector<16xf32>
          %parallel_loop3A_197 = arith.index_cast %parallel_loop3A_192 : i32 to index
          %parallel_loop3A_198 = arith.constant 16 : index
          %parallel_loop3A_199 = tpu.vector_load %arg6[%parallel_loop3A_197, %parallel_loop3A_198] {strides = array<i32>} : memref<256x64xf32, #tpu.memory_space<vmem>>, vector<16xf32>,
          %parallel_loop3A_200 = arith.addf %parallel_loop3A_189, %parallel_loop3A_199 : vector<16xf32>
          %parallel_loop3A_201 = arith.index_cast %parallel_loop3A_192 : i32 to index
          %parallel_loop3A_202 = arith.constant 32 : index
          %parallel_loop3A_203 = tpu.vector_load %arg6[%parallel_loop3A_201, %parallel_loop3A_202] {strides = array<i32>} : memref<256x64xf32, #tpu.memory_space<vmem>>, vector<16xf32>,
          %parallel_loop3A_204 = arith.addf %parallel_loop3A_190, %parallel_loop3A_203 : vector<16xf32>
          %parallel_loop3A_205 = arith.index_cast %parallel_loop3A_192 : i32 to index
          %parallel_loop3A_206 = arith.constant 48 : index
          %parallel_loop3A_207 = tpu.vector_load %arg6[%parallel_loop3A_205, %parallel_loop3A_206] {strides = array<i32>} : memref<256x64xf32, #tpu.memory_space<vmem>>, vector<16xf32>,
          %parallel_loop3A_208 = arith.addf %parallel_loop3A_191, %parallel_loop3A_207 : vector<16xf32>
          scf.yield %parallel_loop3A_196, %parallel_loop3A_200, %parallel_loop3A_204, %parallel_loop3A_208 : vector<16xf32>, vector<16xf32>, vector<16xf32>, vector<16xf32>
        } {sc.loop_unroll_factor = 4 : i64, sc.parallel_access}
        %mul3A_129 = arith.constant 2 : i32
        %mul3A_130 = arith.muli %mul3A_129, %while3A_67 : i32
        %add3A_131 = arith.constant 2 : i32
        %add3A_132 = arith.addi %mul3A_130, %add3A_131 : i32
        %mul3A_133 = arith.constant 256 : i32
        %mul3A_134 = arith.muli %add3A_132, %mul3A_133 : i32
        %add3A_135 = arith.addi %and3A_23, %mul3A_134 : i32
        %min3A_136 = arith.constant 1048320 : i32
        %min3A_137 = arith.minsi %add3A_135, %min3A_136 : i32
        %multiple_of3A_138 = tpu.assume_multiple %min3A_137, 8 : i32
        %dma_start3A_139 = arith.constant 0 : i32
        %dma_start3A_140 = tpu.memref_slice %arg2[%multiple_of3A_138, %dma_start3A_139] : memref<1048576x64xf32, #tpu.memory_space<hbm>> -> memref<256x64xf32, #tpu.memory_space<hbm>>
        %dma_start3A_141 = arith.constant 0 : i32
        %dma_start3A_142 = tpu.memref_slice %arg2[%multiple_of3A_138, %dma_start3A_141] : memref<1048576x64xf32, #tpu.memory_space<hbm>> -> memref<256x64xf32, #tpu.memory_space<hbm>>
        tpu.enqueue_dma source(%dma_start3A_142 : memref<256x64xf32, #tpu.memory_space<hbm>>) target(%arg6 : memref<256x64xf32, #tpu.memory_space<vmem>>) target_semaphore(%arg9 : memref<!tpu.dma_semaphore, #tpu.memory_space<semaphore_mem>>)
        %dma_wait3A_143 = arith.constant 0 : i32
        %dma_wait3A_144 = arith.constant 0 : i32
        %dma_wait3A_145 = tpu.memref_slice %arg2[%dma_wait3A_143, %dma_wait3A_144] : memref<1048576x64xf32, #tpu.memory_space<hbm>> -> memref<256x64xf32, #tpu.memory_space<hbm>>
        %dma_wait3A_146 = arith.constant 0 : i32
        %dma_wait3A_147 = arith.constant 0 : i32
        %dma_wait3A_148 = tpu.memref_slice %arg2[%dma_wait3A_146, %dma_wait3A_147] : memref<1048576x64xf32, #tpu.memory_space<hbm>> -> memref<256x64xf32, #tpu.memory_space<hbm>>
        tpu.wait_dma2 semaphore(%arg10 : memref<!tpu.dma_semaphore, #tpu.memory_space<semaphore_mem>>) src(%dma_wait3A_148 : memref<256x64xf32, #tpu.memory_space<hbm>>) dst(%arg7 : memref<256x64xf32, #tpu.memory_space<vmem>>)
        %mul3A_149 = arith.constant 2 : i32
        %mul3A_150 = arith.muli %mul3A_149, %while3A_67 : i32
        %add3A_151 = arith.constant 1 : i32
        %add3A_152 = arith.addi %mul3A_150, %add3A_151 : i32
        %mul3A_153 = arith.constant 256 : i32
        %mul3A_154 = arith.muli %add3A_152, %mul3A_153 : i32
        %add3A_155 = arith.addi %and3A_23, %mul3A_154 : i32
        %min3A_156 = arith.constant 1048320 : i32
        %min3A_157 = arith.minsi %add3A_155, %min3A_156 : i32
        %multiple_of3A_158 = tpu.assume_multiple %min3A_157, 8 : i32
        %add3A_159 = arith.constant 1 : i32
        %add3A_160 = arith.addi %add3A_152, %add3A_159 : i32
        %mul3A_161 = arith.constant 256 : i32
        %mul3A_162 = arith.muli %add3A_160, %mul3A_161 : i32
        %add3A_163 = arith.addi %and3A_23, %mul3A_162 : i32
        %min3A_164 = arith.minsi %add3A_163, %squeeze3A_22 : i32
        %scan3A_165 = arith.constant 0 : i32
        %scan3A_166 = arith.constant 0 : i32
        %scan3A_167 = arith.constant 16 : i32
        %scan3A_168 = arith.addi %scan3A_166, %scan3A_167 : i32
        %scan3A_169 = arith.constant 1 : i32
        %scan3A_170 = scf.for %scan3A_187 = %scan3A_166 to %scan3A_168 step %scan3A_169 iter_args(%scan3A_188 = %scan3A_165) -> (i32)  : i32 {
          %add3A_189 = arith.constant 1 : i32
          %add3A_190 = arith.addi %mul3A_15, %add3A_189 : i32
          %mul3A_191 = arith.constant 16 : i32
          %mul3A_192 = arith.muli %scan3A_187, %mul3A_191 : i32
          %add3A_193 = arith.addi %add3A_190, %mul3A_192 : i32
          %get3A_194 = arith.index_cast %add3A_193 : i32 to index
          %get3A_195 = tpu.vector_load %arg5[%get3A_194] {strides = array<i32>} : memref<2064xi32, #tpu.memory_space<vmem>>, vector<16xi32>,
          %le3A = vector.broadcast %min3A_164 : i32 to vector<16xi32>
          %le3A_196 = arith.cmpi sle, %get3A_195, %le3A : vector<16xi32>
          %all_reduce_population_count3A = tpu.all_reduce %le3A_196 {dim = 0 : i64, kind = #tpu.reduction_kind<sum>} : vector<16xi1> -> vector<16xi32>
          %slice3A_197 = vector.extract_strided_slice %all_reduce_population_count3A {offsets = [0], sizes = [1], strides = [1]} : vector<16xi32> to vector<1xi32>
          %squeeze3A_198 = vector.extract %slice3A_197[0] : i32 from vector<1xi32>
          %add3A_199 = arith.addi %scan3A_188, %squeeze3A_198 : i32
          scf.yield %add3A_199 : i32
        }
        %scan3A_171 = arith.constant 16 : i32
        %sub3A_172 = arith.subi %while3A_127#0, %mul3A_15 : i32
        %sub3A_173 = arith.subi %scan3A_170, %sub3A_172 : i32
        %while3A_174 = arith.constant 0 : i32
        %while3A_175 = arith.subi %sub3A_173, %while3A_174 : i32
        %while3A_176 = arith.addi %while3A_174, %while3A_175 : i32
        %while3A_177 = arith.constant 1 : i32
        %while3A_178 = arith.divsi %while3A_175, %while3A_177 : i32
        %while3A_179 = arith.muli %while3A_178, %while3A_177 : i32
        %while3A_180 = arith.addi %while3A_174, %while3A_179 : i32
        %while3A_181 = arith.constant 1 : i32
        %while3A_182:6 = scf.for %while3A_187 = %while3A_174 to %while3A_180 step %while3A_181 iter_args(%while3A_188 = %while3A_127#0, %while3A_189 = %min3A_107, %while3A_190 = %parallel_loop3A_128#0, %while3A_191 = %parallel_loop3A_128#1, %while3A_192 = %parallel_loop3A_128#2, %while3A_193 = %parallel_loop3A_128#3) -> (i32, i32, vector<16xf32>, vector<16xf32>, vector<16xf32>, vector<16xf32>)  : i32 {
          %add3A_194 = arith.constant 1 : i32
          %add3A_195 = arith.addi %while3A_188, %add3A_194 : i32
          %get3A_196 = arith.index_cast %add3A_195 : i32 to index
          %get3A_197 = tpu.vector_load %arg5[%get3A_196] {strides = array<i32>} : memref<2064xi32, #tpu.memory_space<vmem>>, vector<16xi32>,
          %slice3A_198 = vector.extract_strided_slice %get3A_197 {offsets = [0], sizes = [1], strides = [1]} : vector<16xi32> to vector<1xi32>
          %squeeze3A_199 = vector.extract %slice3A_198[0] : i32 from vector<1xi32>
          %parallel_loop3A_200 = arith.constant 1 : i32
          %parallel_loop3A_201:4 = scf.for %parallel_loop3A_216 = %while3A_189 to %squeeze3A_199 step %parallel_loop3A_200 iter_args(%parallel_loop3A_217 = %while3A_190, %parallel_loop3A_218 = %while3A_191, %parallel_loop3A_219 = %while3A_192, %parallel_loop3A_220 = %while3A_193) -> (vector<16xf32>, vector<16xf32>, vector<16xf32>, vector<16xf32>)  : i32 {
            %parallel_loop3A_221 = arith.subi %parallel_loop3A_216, %multiple_of3A_158 : i32
            %parallel_loop3A_222 = arith.index_cast %parallel_loop3A_221 : i32 to index
            %parallel_loop3A_223 = arith.constant 0 : index
            %parallel_loop3A_224 = tpu.vector_load %arg7[%parallel_loop3A_222, %parallel_loop3A_223] {strides = array<i32>} : memref<256x64xf32, #tpu.memory_space<vmem>>, vector<16xf32>,
            %parallel_loop3A_225 = arith.addf %parallel_loop3A_217, %parallel_loop3A_224 : vector<16xf32>
            %parallel_loop3A_226 = arith.index_cast %parallel_loop3A_221 : i32 to index
            %parallel_loop3A_227 = arith.constant 16 : index
            %parallel_loop3A_228 = tpu.vector_load %arg7[%parallel_loop3A_226, %parallel_loop3A_227] {strides = array<i32>} : memref<256x64xf32, #tpu.memory_space<vmem>>, vector<16xf32>,
            %parallel_loop3A_229 = arith.addf %parallel_loop3A_218, %parallel_loop3A_228 : vector<16xf32>
            %parallel_loop3A_230 = arith.index_cast %parallel_loop3A_221 : i32 to index
            %parallel_loop3A_231 = arith.constant 32 : index
            %parallel_loop3A_232 = tpu.vector_load %arg7[%parallel_loop3A_230, %parallel_loop3A_231] {strides = array<i32>} : memref<256x64xf32, #tpu.memory_space<vmem>>, vector<16xf32>,
            %parallel_loop3A_233 = arith.addf %parallel_loop3A_219, %parallel_loop3A_232 : vector<16xf32>
            %parallel_loop3A_234 = arith.index_cast %parallel_loop3A_221 : i32 to index
            %parallel_loop3A_235 = arith.constant 48 : index
            %parallel_loop3A_236 = tpu.vector_load %arg7[%parallel_loop3A_234, %parallel_loop3A_235] {strides = array<i32>} : memref<256x64xf32, #tpu.memory_space<vmem>>, vector<16xf32>,
            %parallel_loop3A_237 = arith.addf %parallel_loop3A_220, %parallel_loop3A_236 : vector<16xf32>
            scf.yield %parallel_loop3A_225, %parallel_loop3A_229, %parallel_loop3A_233, %parallel_loop3A_237 : vector<16xf32>, vector<16xf32>, vector<16xf32>, vector<16xf32>
          } {sc.loop_unroll_factor = 4 : i64, sc.parallel_access}
          %sub3A_202 = arith.subi %while3A_188, %mul3A_15 : i32
          %swap3A = arith.index_cast %sub3A_202 : i32 to index
          %swap3A_203 = arith.constant 0 : index
          %swap3A_204 = tpu.vector_load %arg8[%swap3A, %swap3A_203] {strides = array<i32>} : memref<256x64xf32, #tpu.memory_space<vmem>>, vector<16xf32>,
          tpu.vector_store %arg8[%swap3A, %swap3A_203], %parallel_loop3A_201#0 {strides = array<i32>} : memref<256x64xf32, #tpu.memory_space<vmem>>, vector<16xf32>,
          %swap3A_205 = arith.index_cast %sub3A_202 : i32 to index
          %swap3A_206 = arith.constant 16 : index
          %swap3A_207 = tpu.vector_load %arg8[%swap3A_205, %swap3A_206] {strides = array<i32>} : memref<256x64xf32, #tpu.memory_space<vmem>>, vector<16xf32>,
          tpu.vector_store %arg8[%swap3A_205, %swap3A_206], %parallel_loop3A_201#1 {strides = array<i32>} : memref<256x64xf32, #tpu.memory_space<vmem>>, vector<16xf32>,
          %swap3A_208 = arith.index_cast %sub3A_202 : i32 to index
          %swap3A_209 = arith.constant 32 : index
          %swap3A_210 = tpu.vector_load %arg8[%swap3A_208, %swap3A_209] {strides = array<i32>} : memref<256x64xf32, #tpu.memory_space<vmem>>, vector<16xf32>,
          tpu.vector_store %arg8[%swap3A_208, %swap3A_209], %parallel_loop3A_201#2 {strides = array<i32>} : memref<256x64xf32, #tpu.memory_space<vmem>>, vector<16xf32>,
          %swap3A_211 = arith.index_cast %sub3A_202 : i32 to index
          %swap3A_212 = arith.constant 48 : index
          %swap3A_213 = tpu.vector_load %arg8[%swap3A_211, %swap3A_212] {strides = array<i32>} : memref<256x64xf32, #tpu.memory_space<vmem>>, vector<16xf32>,
          tpu.vector_store %arg8[%swap3A_211, %swap3A_212], %parallel_loop3A_201#3 {strides = array<i32>} : memref<256x64xf32, #tpu.memory_space<vmem>>, vector<16xf32>,
          %add3A_214 = arith.constant 1 : i32
          %add3A_215 = arith.addi %while3A_188, %add3A_214 : i32
          scf.yield %add3A_215, %squeeze3A_199, %broadcast_in_dim3A_5, %broadcast_in_dim3A_5, %broadcast_in_dim3A_5, %broadcast_in_dim3A_5 : i32, i32, vector<16xf32>, vector<16xf32>, vector<16xf32>, vector<16xf32>
        }
        %while3A_183 = arith.constant 1 : i32
        %while3A_184:6 = scf.for %while3A_187 = %while3A_180 to %while3A_176 step %while3A_183 iter_args(%while3A_188 = %while3A_182#0, %while3A_189 = %while3A_182#1, %while3A_190 = %while3A_182#2, %while3A_191 = %while3A_182#3, %while3A_192 = %while3A_182#4, %while3A_193 = %while3A_182#5) -> (i32, i32, vector<16xf32>, vector<16xf32>, vector<16xf32>, vector<16xf32>)  : i32 {
          %add3A_194 = arith.constant 1 : i32
          %add3A_195 = arith.addi %while3A_188, %add3A_194 : i32
          %get3A_196 = arith.index_cast %add3A_195 : i32 to index
          %get3A_197 = tpu.vector_load %arg5[%get3A_196] {strides = array<i32>} : memref<2064xi32, #tpu.memory_space<vmem>>, vector<16xi32>,
          %slice3A_198 = vector.extract_strided_slice %get3A_197 {offsets = [0], sizes = [1], strides = [1]} : vector<16xi32> to vector<1xi32>
          %squeeze3A_199 = vector.extract %slice3A_198[0] : i32 from vector<1xi32>
          %parallel_loop3A_200 = arith.constant 1 : i32
          %parallel_loop3A_201:4 = scf.for %parallel_loop3A_216 = %while3A_189 to %squeeze3A_199 step %parallel_loop3A_200 iter_args(%parallel_loop3A_217 = %while3A_190, %parallel_loop3A_218 = %while3A_191, %parallel_loop3A_219 = %while3A_192, %parallel_loop3A_220 = %while3A_193) -> (vector<16xf32>, vector<16xf32>, vector<16xf32>, vector<16xf32>)  : i32 {
            %parallel_loop3A_221 = arith.subi %parallel_loop3A_216, %multiple_of3A_158 : i32
            %parallel_loop3A_222 = arith.index_cast %parallel_loop3A_221 : i32 to index
            %parallel_loop3A_223 = arith.constant 0 : index
            %parallel_loop3A_224 = tpu.vector_load %arg7[%parallel_loop3A_222, %parallel_loop3A_223] {strides = array<i32>} : memref<256x64xf32, #tpu.memory_space<vmem>>, vector<16xf32>,
            %parallel_loop3A_225 = arith.addf %parallel_loop3A_217, %parallel_loop3A_224 : vector<16xf32>
            %parallel_loop3A_226 = arith.index_cast %parallel_loop3A_221 : i32 to index
            %parallel_loop3A_227 = arith.constant 16 : index
            %parallel_loop3A_228 = tpu.vector_load %arg7[%parallel_loop3A_226, %parallel_loop3A_227] {strides = array<i32>} : memref<256x64xf32, #tpu.memory_space<vmem>>, vector<16xf32>,
            %parallel_loop3A_229 = arith.addf %parallel_loop3A_218, %parallel_loop3A_228 : vector<16xf32>
            %parallel_loop3A_230 = arith.index_cast %parallel_loop3A_221 : i32 to index
            %parallel_loop3A_231 = arith.constant 32 : index
            %parallel_loop3A_232 = tpu.vector_load %arg7[%parallel_loop3A_230, %parallel_loop3A_231] {strides = array<i32>} : memref<256x64xf32, #tpu.memory_space<vmem>>, vector<16xf32>,
            %parallel_loop3A_233 = arith.addf %parallel_loop3A_219, %parallel_loop3A_232 : vector<16xf32>
            %parallel_loop3A_234 = arith.index_cast %parallel_loop3A_221 : i32 to index
            %parallel_loop3A_235 = arith.constant 48 : index
            %parallel_loop3A_236 = tpu.vector_load %arg7[%parallel_loop3A_234, %parallel_loop3A_235] {strides = array<i32>} : memref<256x64xf32, #tpu.memory_space<vmem>>, vector<16xf32>,
            %parallel_loop3A_237 = arith.addf %parallel_loop3A_220, %parallel_loop3A_236 : vector<16xf32>
            scf.yield %parallel_loop3A_225, %parallel_loop3A_229, %parallel_loop3A_233, %parallel_loop3A_237 : vector<16xf32>, vector<16xf32>, vector<16xf32>, vector<16xf32>
          } {sc.loop_unroll_factor = 4 : i64, sc.parallel_access}
          %sub3A_202 = arith.subi %while3A_188, %mul3A_15 : i32
          %swap3A = arith.index_cast %sub3A_202 : i32 to index
          %swap3A_203 = arith.constant 0 : index
          %swap3A_204 = tpu.vector_load %arg8[%swap3A, %swap3A_203] {strides = array<i32>} : memref<256x64xf32, #tpu.memory_space<vmem>>, vector<16xf32>,
          tpu.vector_store %arg8[%swap3A, %swap3A_203], %parallel_loop3A_201#0 {strides = array<i32>} : memref<256x64xf32, #tpu.memory_space<vmem>>, vector<16xf32>,
          %swap3A_205 = arith.index_cast %sub3A_202 : i32 to index
          %swap3A_206 = arith.constant 16 : index
          %swap3A_207 = tpu.vector_load %arg8[%swap3A_205, %swap3A_206] {strides = array<i32>} : memref<256x64xf32, #tpu.memory_space<vmem>>, vector<16xf32>,
          tpu.vector_store %arg8[%swap3A_205, %swap3A_206], %parallel_loop3A_201#1 {strides = array<i32>} : memref<256x64xf32, #tpu.memory_space<vmem>>, vector<16xf32>,
          %swap3A_208 = arith.index_cast %sub3A_202 : i32 to index
          %swap3A_209 = arith.constant 32 : index
          %swap3A_210 = tpu.vector_load %arg8[%swap3A_208, %swap3A_209] {strides = array<i32>} : memref<256x64xf32, #tpu.memory_space<vmem>>, vector<16xf32>,
          tpu.vector_store %arg8[%swap3A_208, %swap3A_209], %parallel_loop3A_201#2 {strides = array<i32>} : memref<256x64xf32, #tpu.memory_space<vmem>>, vector<16xf32>,
          %swap3A_211 = arith.index_cast %sub3A_202 : i32 to index
          %swap3A_212 = arith.constant 48 : index
          %swap3A_213 = tpu.vector_load %arg8[%swap3A_211, %swap3A_212] {strides = array<i32>} : memref<256x64xf32, #tpu.memory_space<vmem>>, vector<16xf32>,
          tpu.vector_store %arg8[%swap3A_211, %swap3A_212], %parallel_loop3A_201#3 {strides = array<i32>} : memref<256x64xf32, #tpu.memory_space<vmem>>, vector<16xf32>,
          %add3A_214 = arith.constant 1 : i32
          %add3A_215 = arith.addi %while3A_188, %add3A_214 : i32
          scf.yield %add3A_215, %squeeze3A_199, %broadcast_in_dim3A_5, %broadcast_in_dim3A_5, %broadcast_in_dim3A_5, %broadcast_in_dim3A_5 : i32, i32, vector<16xf32>, vector<16xf32>, vector<16xf32>, vector<16xf32>
        }
        %parallel_loop3A_185 = arith.constant 1 : i32
        %parallel_loop3A_186:4 = scf.for %parallel_loop3A_187 = %while3A_184#1 to %min3A_164 step %parallel_loop3A_185 iter_args(%parallel_loop3A_188 = %while3A_184#2, %parallel_loop3A_189 = %while3A_184#3, %parallel_loop3A_190 = %while3A_184#4, %parallel_loop3A_191 = %while3A_184#5) -> (vector<16xf32>, vector<16xf32>, vector<16xf32>, vector<16xf32>)  : i32 {
          %parallel_loop3A_192 = arith.subi %parallel_loop3A_187, %multiple_of3A_158 : i32
          %parallel_loop3A_193 = arith.index_cast %parallel_loop3A_192 : i32 to index
          %parallel_loop3A_194 = arith.constant 0 : index
          %parallel_loop3A_195 = tpu.vector_load %arg7[%parallel_loop3A_193, %parallel_loop3A_194] {strides = array<i32>} : memref<256x64xf32, #tpu.memory_space<vmem>>, vector<16xf32>,
          %parallel_loop3A_196 = arith.addf %parallel_loop3A_188, %parallel_loop3A_195 : vector<16xf32>
          %parallel_loop3A_197 = arith.index_cast %parallel_loop3A_192 : i32 to index
          %parallel_loop3A_198 = arith.constant 16 : index
          %parallel_loop3A_199 = tpu.vector_load %arg7[%parallel_loop3A_197, %parallel_loop3A_198] {strides = array<i32>} : memref<256x64xf32, #tpu.memory_space<vmem>>, vector<16xf32>,
          %parallel_loop3A_200 = arith.addf %parallel_loop3A_189, %parallel_loop3A_199 : vector<16xf32>
          %parallel_loop3A_201 = arith.index_cast %parallel_loop3A_192 : i32 to index
          %parallel_loop3A_202 = arith.constant 32 : index
          %parallel_loop3A_203 = tpu.vector_load %arg7[%parallel_loop3A_201, %parallel_loop3A_202] {strides = array<i32>} : memref<256x64xf32, #tpu.memory_space<vmem>>, vector<16xf32>,
          %parallel_loop3A_204 = arith.addf %parallel_loop3A_190, %parallel_loop3A_203 : vector<16xf32>
          %parallel_loop3A_205 = arith.index_cast %parallel_loop3A_192 : i32 to index
          %parallel_loop3A_206 = arith.constant 48 : index
          %parallel_loop3A_207 = tpu.vector_load %arg7[%parallel_loop3A_205, %parallel_loop3A_206] {strides = array<i32>} : memref<256x64xf32, #tpu.memory_space<vmem>>, vector<16xf32>,
          %parallel_loop3A_208 = arith.addf %parallel_loop3A_191, %parallel_loop3A_207 : vector<16xf32>
          scf.yield %parallel_loop3A_196, %parallel_loop3A_200, %parallel_loop3A_204, %parallel_loop3A_208 : vector<16xf32>, vector<16xf32>, vector<16xf32>, vector<16xf32>
        } {sc.loop_unroll_factor = 4 : i64, sc.parallel_access}
        scf.yield %while3A_184#0, %min3A_164, %parallel_loop3A_186#0, %parallel_loop3A_186#1, %parallel_loop3A_186#2, %parallel_loop3A_186#3 : i32, i32, vector<16xf32>, vector<16xf32>, vector<16xf32>, vector<16xf32>
      }
      %dma_wait3A_51 = arith.constant 0 : i32
      %dma_wait3A_52 = arith.constant 0 : i32
      %dma_wait3A_53 = tpu.memref_slice %arg2[%dma_wait3A_51, %dma_wait3A_52] : memref<1048576x64xf32, #tpu.memory_space<hbm>> -> memref<256x64xf32, #tpu.memory_space<hbm>>
      %dma_wait3A_54 = arith.constant 0 : i32
      %dma_wait3A_55 = arith.constant 0 : i32
      %dma_wait3A_56 = tpu.memref_slice %arg2[%dma_wait3A_54, %dma_wait3A_55] : memref<1048576x64xf32, #tpu.memory_space<hbm>> -> memref<256x64xf32, #tpu.memory_space<hbm>>
      tpu.wait_dma2 semaphore(%arg9 : memref<!tpu.dma_semaphore, #tpu.memory_space<semaphore_mem>>) src(%dma_wait3A_56 : memref<256x64xf32, #tpu.memory_space<hbm>>) dst(%arg6 : memref<256x64xf32, #tpu.memory_space<vmem>>)
      %add3A_57 = arith.addi %multiple_of3A, %mul3A_15 : i32
      %dma_start3A_58 = arith.constant 0 : i32
      %dma_start3A_59 = tpu.memref_slice %arg4[%add3A_57, %dma_start3A_58] : memref<65536x64xf32, #tpu.memory_space<hbm>> -> memref<256x64xf32, #tpu.memory_space<hbm>>
      %dma_start3A_60 = arith.constant 0 : i32
      %dma_start3A_61 = tpu.memref_slice %arg4[%add3A_57, %dma_start3A_60] : memref<65536x64xf32, #tpu.memory_space<hbm>> -> memref<256x64xf32, #tpu.memory_space<hbm>>
      tpu.enqueue_dma source(%arg8 : memref<256x64xf32, #tpu.memory_space<vmem>>) target(%dma_start3A_61 : memref<256x64xf32, #tpu.memory_space<hbm>>) target_semaphore(%arg9 : memref<!tpu.dma_semaphore, #tpu.memory_space<semaphore_mem>>)
      %dma_wait3A_62 = arith.constant 0 : i32
      %dma_wait3A_63 = tpu.memref_slice %arg4[%add3A_57, %dma_wait3A_62] : memref<65536x64xf32, #tpu.memory_space<hbm>> -> memref<256x64xf32, #tpu.memory_space<hbm>>
      %dma_wait3A_64 = arith.constant 0 : i32
      %dma_wait3A_65 = tpu.memref_slice %arg4[%add3A_57, %dma_wait3A_64] : memref<65536x64xf32, #tpu.memory_space<hbm>> -> memref<256x64xf32, #tpu.memory_space<hbm>>
      tpu.wait_dma2 semaphore(%arg9 : memref<!tpu.dma_semaphore, #tpu.memory_space<semaphore_mem>>) src(%arg8 : memref<256x64xf32, #tpu.memory_space<vmem>>) dst(%dma_wait3A_65 : memref<256x64xf32, #tpu.memory_space<hbm>>)
      %scan3A_66 = arith.constant 0 : i32
      scf.yield %scan3A_66 : i32
    }
    %scan3A_11 = arith.constant 8 : i32
    return
  }
}

module attributes {stable_mosaic.version = 14 : i64} {
  func.func @body(%arg0: i32, %arg1: memref<32x1xf32, #tpu.memory_space<vmem>>, %arg2: memref<32x256x64xf32, #tpu.memory_space<vmem>>, %arg3: memref<32x256x128xf32, #tpu.memory_space<vmem>>) attributes {dimension_semantics = [#tpu.dimension_semantics<arbitrary>], iteration_bounds = array<i64: 8>, scalar_prefetch = 0 : i64, scratch_operands = 0 : i64, tpu.core_type = #tpu.core_type<tc>, window_params = [{pipeline_mode = #tpu.pipeline_mode<synchronous>, transform_indices = @transform_0, window_bounds = array<i64: 32, 1>}, {transform_indices = @transform_1, window_bounds = array<i64: 32, 256, 64>}, {transform_indices = @transform_2, window_bounds = array<i64: 32, 256, 128>}]} {
    %get3A = arith.constant 0 : index
    %get3A_0 = arith.constant 0 : index
    %get3A_1 = vector.load %arg1[%get3A, %get3A_0] : memref<32x1xf32, #tpu.memory_space<vmem>>, vector<32x1xf32>
    %reshape3A = vector.shape_cast %get3A_1 : vector<32x1xf32> to vector<32x1x1xf32>
    %div3A = arith.constant 1.000000e+06 : f32
    %div3A_2 = vector.broadcast %div3A : f32 to vector<32x1x1xf32>
    %div3A_3 = arith.divf %reshape3A, %div3A_2 : vector<32x1x1xf32>
    %get3A_4 = arith.constant 0 : index
    %get3A_5 = arith.constant 0 : index
    %get3A_6 = arith.constant 0 : index
    %get3A_7 = vector.load %arg2[%get3A_4, %get3A_5, %get3A_6] : memref<32x256x64xf32, #tpu.memory_space<vmem>>, vector<32x256x64xf32>
    %div3A_8 = vector.broadcast %div3A_3 : vector<32x1x1xf32> to vector<32x256x64xf32>
    %div3A_9 = arith.divf %get3A_7, %div3A_8 : vector<32x256x64xf32>
    %reduce_sum3A = arith.constant dense<0.000000e+00> : vector<256x64xf32>
    %reduce_sum3A_10 = vector.multi_reduction <add>, %div3A_9, %reduce_sum3A [0] : vector<32x256x64xf32> to vector<256x64xf32>
    %broadcast_in_dim3A = vector.shape_cast %reduce_sum3A_10 : vector<256x64xf32> to vector<1x256x64xf32>
    %div3A_11 = arith.constant 3.200000e+01 : f32
    %div3A_12 = vector.broadcast %div3A_11 : f32 to vector<1x256x64xf32>
    %div3A_13 = arith.divf %broadcast_in_dim3A, %div3A_12 : vector<1x256x64xf32>
    %sub3A = vector.broadcast %div3A_13 : vector<1x256x64xf32> to vector<32x256x64xf32>
    %sub3A_14 = arith.subf %div3A_9, %sub3A : vector<32x256x64xf32>
    %mul3A = arith.mulf %sub3A_14, %sub3A_14 : vector<32x256x64xf32>
    %reduce_sum3A_15 = arith.constant dense<0.000000e+00> : vector<256x64xf32>
    %reduce_sum3A_16 = vector.multi_reduction <add>, %mul3A, %reduce_sum3A_15 [0] : vector<32x256x64xf32> to vector<256x64xf32>
    %broadcast_in_dim3A_17 = vector.shape_cast %reduce_sum3A_16 : vector<256x64xf32> to vector<1x256x64xf32>
    %mul3A_18 = arith.constant 0.0322580636 : f32
    %mul3A_19 = vector.broadcast %mul3A_18 : f32 to vector<1x256x64xf32>
    %mul3A_20 = arith.mulf %broadcast_in_dim3A_17, %mul3A_19 : vector<1x256x64xf32>
    %sqrt3A = math.sqrt %mul3A_20 : vector<1x256x64xf32>
    %add3A = arith.constant 9.99999974E-6 : f32
    %add3A_21 = vector.broadcast %add3A : f32 to vector<1x256x64xf32>
    %add3A_22 = arith.addf %sqrt3A, %add3A_21 : vector<1x256x64xf32>
    %div3A_23 = vector.broadcast %add3A_22 : vector<1x256x64xf32> to vector<32x256x64xf32>
    %div3A_24 = arith.divf %sub3A_14, %div3A_23 : vector<32x256x64xf32>
    %concatenate3A = tpu.concatenate %div3A_9, %div3A_24 in 2 : vector<32x256x64xf32>, vector<32x256x64xf32> -> vector<32x256x128xf32>
    %swap3A = arith.constant 0 : index
    %swap3A_25 = arith.constant 0 : index
    %swap3A_26 = arith.constant 0 : index
    %swap3A_27 = vector.load %arg3[%swap3A, %swap3A_25, %swap3A_26] : memref<32x256x128xf32, #tpu.memory_space<vmem>>, vector<32x256x128xf32>
    tpu.vector_store %arg3[%swap3A, %swap3A_25, %swap3A_26], %concatenate3A {strides = array<i32>} : memref<32x256x128xf32, #tpu.memory_space<vmem>>, vector<32x256x128xf32>,
    return
  }
  func.func @transform_0(%arg0: i32) -> (i32, i32) {
    %c0_i32 = arith.constant 0 : i32
    %c0_i32_0 = arith.constant 0 : i32
    %c0_i32_1 = arith.constant 0 : i32
    return %c0_i32, %c0_i32_0 : i32, i32
  }
  func.func @transform_1(%arg0: i32) -> (i32, i32, i32) {
    %c0_i32 = arith.constant 0 : i32
    %c0_i32_0 = arith.constant 0 : i32
    %c0_i32_1 = arith.constant 0 : i32
    return %c0_i32, %arg0, %c0_i32_0 : i32, i32, i32
  }
  func.func @transform_2(%arg0: i32) -> (i32, i32, i32) {
    %c0_i32 = arith.constant 0 : i32
    %c0_i32_0 = arith.constant 0 : i32
    %c0_i32_1 = arith.constant 0 : i32
    return %c0_i32, %arg0, %c0_i32_0 : i32, i32, i32
  }
}

</mosaic_0001>

<sc_bundles>
// kernel: kernel.4.cloned.1.call-start
scs
__scs_entry_jumppad:
0x0: {  	(pc) =	sbr.rel $0x88, $3  }
0x1: {  	(tag) =	ssettag $0x0;
	lr =	simm.s32 $0x1  }
0x2: {  	[smem:$0x3F9E] =	sst lr;
	_ =	strace $0xD0000000  }
0x3: {  	_ = 	snop  }
0x4: {  	_ = 	snop  }
0x5: {  	_ = 	snop  }
0x6: {  	_ = 	snop  }
0x7: {  	_ = 	snop  }
__scs_overlays_trampoline_lowered:
0x8: {  	[smem:$0x3FAD] =	sst s0  }
0x9: {  	[smem:$0x3FAE] =	sst s1  }
0xa: {  	[smem:$0x3FAF] =	sst s2  }
0xb: {  	[smem:$0x3FB0] =	sst s3  }
0xc: {  	[smem:$0x3FB1] =	sst s4  }
0xd: {  	[smem:$0x3FB2] =	sst s5  }
0xe: {  	[smem:$0x3FB3] =	sst s6  }
0xf: {  	[smem:$0x3FB4] =	sst s7  }
0x10: {  	[smem:$0x3FB5] =	sst s8  }
0x11: {  	[smem:$0x3FB6] =	sst s9;
	s0 =	simm.s32 @!p0 $0x0  }
0x12: {  	s1 =	sld [smem:$0x3F9C];
	s0 =	simm.s32 @p0 $0x1  }
0x13: {  	[smem:$0x3FB7] =	sst s0;
	s0 =	simm.s32 @!p1 $0x0  }
0x14: {  	s2 =	sld [smem:$0x3F9B];
	s0 =	simm.s32 @p1 $0x1  }
0x15: {  	[smem:$0x3FB8] =	sst s0;
	s0 =	simm.s32 @!p2 $0x0  }
0x16: {  	s3 =	sld [smem:$0x3FDB];
	s0 =	simm.s32 @p2 $0x1  }
0x17: {  	s4 =	simm.s32 $0x1BF5;
	[smem:$0x3FBA] =	sst s0  }
0x18: {  	s0 =	sld [smem:$0x3F9D];
	_ =	swait.ge [sflag:s4], $0x0  }
0x19: {  	s7 =	sld [smem:$0x3F9E]  }
0x1a: {  	s8 =	sadd.s32 $0xFFFFE003, lr  }
0x1b: {  	s9 =	sadd.s32 $0xFFFFFEF7, lr;
	s5 =	simm.s32 $0xFFFFFFFF;
	p2 =	slt.u32 s8, $0xFFFFF086  }
0x1c: {  	p1 =	slt.u32 s9, $0xF7A;
	s5 =	simm.s32 @!p2 $0x0  }
0x1d: {  	s5 =	simm.s32 @p1 $0x1;
	p0 =	seq.s32 s7, s2  }
0x1e: {  	s7 =	smul.u32 @!p0 $0xF7A, s2;
	p2 =	seq.s32 @!p0 s5, $0x0  }
0x1f: {  	s9 =	smul.u32 $0xF7A, s1;
	s8 =	simm.s32 @!p0 $0x1BF5;
	p2 =	por !p2, p0  }
0x20: {  	[sflag:s8] =	ssyncset.s32 @!p0 $0xFFFFF086;
	s6 =	sadd.s32 @!p0 s3, s7;
	s7 =	simm.s32 @!p0 $0x108  }
0x21: {  	s3 =	sadd.s32 s3, s9;
	s6 =	sadd.s32 @!p0 $0x88, s6;
	s7 =	simm.s32 @p2 $0x1082  }
0x22: {  	[simem:s7], [sflag:s8] =	dma.local @!p0 [hbm:s6], $0xF7A  }
0x23: {  	s9 =	sor.u32 $0xD0000000, s2;
	s6 =	simm.s32 $0x108;
	_ =	swait.ge @!p0 [sflag:s8], $0x0  }
0x24: {  	s3 =	sadd.s32 $0x88, s3;
	s6 =	simm.s32 @!p1 $0x1082;
	[sflag:s4] =	ssyncset.s32 $0xFFFFF086  }
0x25: {  	[simem:s6], [sflag:s4] =	dma.local [hbm:s3], $0xF7A  }
0x26: {  	[smem:$0x3F9E] =	sst s1;
	(tag) =	ssettag s2;
	_ =	strace s9  }
0x27: {  	s1 =	sld [smem:$0x3FAE]  }
0x28: {  	s2 =	sld [smem:$0x3FAF]  }
0x29: {  	s4 =	sld [smem:$0x3FB1]  }
0x2a: {  	p0 =	seq.s32 s5, $0x0;
	s5 =	sld [smem:$0x3FB2]  }
0x2b: {  	s6 =	sld [smem:$0x3FB3]  }
0x2c: {  	s7 =	sld [smem:$0x3FB4]  }
0x2d: {  	s3 =	simm.s32 $0x108;
	s8 =	sld [smem:$0x3FB5]  }
0x2e: {  	s3 =	simm.s32 @!p0 $0x1082;
	s9 =	sld [smem:$0x3FB6]  }
0x2f: {  	lr =	sadd.s32 s0, s3;
	s0 =	sld [smem:$0x3FAD]  }
0x30: {  	s3 =	sld [smem:$0x3FB0]  }
0x31: {  	[smem:$0x3FB9] =	sst s10  }
0x32: {  	s10 =	sld [smem:$0x3FB7];
	_ =	sdelay $0x3  }
0x33: {  	p0 =	seq.s32 s10, $0x1;
	s10 =	sld [smem:$0x3FB9];
	_ =	sdelay $0x3  }
0x34: {  	[smem:$0x3FB9] =	sst s10  }
0x35: {  	s10 =	sld [smem:$0x3FB8];
	_ =	sdelay $0x3  }
0x36: {  	p1 =	seq.s32 s10, $0x1;
	s10 =	sld [smem:$0x3FB9];
	_ =	sdelay $0x3  }
0x37: {  	[smem:$0x3FB9] =	sst s10  }
0x38: {  	s10 =	sld [smem:$0x3FBA]  }
0x39: {  	_ = 	snop;
	(pc) =	sbr.ind lr, $3  }
0x3a: {  	_ = 	snop  }
0x3b: {  	_ = 	snop  }
0x3c: {  	p2 =	seq.s32 s10, $0x1;
	s10 =	sld [smem:$0x3FB9]  }
0x3d: {  	_ =	shalt  }
0x3e: {  	_ =	shalt  }
0x3f: {  	_ =	shalt  }
0x40: {  	_ =	shalt  }
0x41: {  	_ =	shalt  }
0x42: {  	_ =	shalt  }
0x43: {  	_ =	shalt  }
0x44: {  	_ =	shalt  }
0x45: {  	_ =	shalt  }
0x46: {  	_ =	shalt  }
0x47: {  	_ =	shalt  }
0x48: {  	_ =	shalt  }
0x49: {  	_ =	shalt  }
0x4a: {  	_ =	shalt  }
0x4b: {  	_ =	shalt  }
0x4c: {  	_ =	shalt  }
0x4d: {  	_ =	shalt  }
0x4e: {  	_ =	shalt  }
0x4f: {  	_ =	shalt  }
0x50: {  	_ =	shalt  }
0x51: {  	_ =	shalt  }
0x52: {  	_ =	shalt  }
0x53: {  	_ =	shalt  }
0x54: {  	_ =	shalt  }
0x55: {  	_ =	shalt  }
0x56: {  	_ =	shalt  }
0x57: {  	_ =	shalt  }
0x58: {  	_ =	shalt  }
0x59: {  	_ =	shalt  }
0x5a: {  	_ =	shalt  }
0x5b: {  	_ =	shalt  }
0x5c: {  	_ =	shalt  }
0x5d: {  	_ =	shalt  }
0x5e: {  	_ =	shalt  }
0x5f: {  	_ =	shalt  }
0x60: {  	_ =	shalt  }
0x61: {  	_ =	shalt  }
0x62: {  	_ =	shalt  }
0x63: {  	_ =	shalt  }
0x64: {  	_ =	shalt  }
0x65: {  	_ =	shalt  }
0x66: {  	_ =	shalt  }
0x67: {  	_ =	shalt  }
0x68: {  	_ =	shalt  }
0x69: {  	_ =	shalt  }
0x6a: {  	_ =	shalt  }
0x6b: {  	_ =	shalt  }
0x6c: {  	_ =	shalt  }
0x6d: {  	_ =	shalt  }
0x6e: {  	_ =	shalt  }
0x6f: {  	_ =	shalt  }
0x70: {  	_ =	shalt  }
0x71: {  	_ =	shalt  }
0x72: {  	_ =	shalt  }
0x73: {  	_ =	shalt  }
0x74: {  	_ =	shalt  }
0x75: {  	_ =	shalt  }
0x76: {  	_ =	shalt  }
0x77: {  	_ =	shalt  }
0x78: {  	_ =	shalt  }
0x79: {  	_ =	shalt  }
0x7a: {  	_ =	shalt  }
0x7b: {  	_ =	shalt  }
0x7c: {  	_ =	shalt  }
0x7d: {  	_ =	shalt  }
0x7e: {  	_ =	shalt  }
0x7f: {  	_ =	shalt  }
0x80: {  	_ =	shalt  }
0x81: {  	_ =	shalt  }
0x82: {  	_ =	shalt  }
0x83: {  	_ =	shalt  }
0x84: {  	_ =	shalt  }
0x85: {  	_ =	shalt  }
0x86: {  	_ =	shalt  }
0x87: {  	_ =	shalt  }
.Lfunc_end0:
.L_simem_size_0:
called_computation_lowered:
.L_overlay_start_0:
0x88: {  	s2 =	sld [smem:$0x3FD9]  }
0x89: {  	s3 =	sld [smem:$0x3FFE];
	_ =	sdelay $0x1  }
0x8a: {  	s1 =	srdreg.scid  }
0x8b: {  	s0 =	sand.u32 $0x1, s1  }
0x8c: {  	s17 =	sshll.u32 s0, $0xA;
	s2 =	sadd.s32 s3, s2  }
0x8d: {  	s2 =	sadd.s32 s2, s17  }
0x8e: {  	[smem:$0x3FC5] =	sst s2  }
0x8f: {  	_ = 	snop  }
0x90: {  	s2 =	sld [smem:$0x3FD0];
	(tm) =	ssettm $0x1  }
0x91: {  	s18 =	sld [smem:$0x3FFB];
	_ =	sdelay $0x3  }
0x92: {  	_ =	strace s18  }
0x93: {  	s3 =	sld [smem:$0x3FFC];
	_ =	sdelay $0x3  }
0x94: {  	_ =	strace s3  }
0x95: {  	s3 =	sld [smem:$0x3FFD];
	_ =	sdelay $0x3  }
0x96: {  	_ =	strace s3  }
0x97: {  	_ =	strace $0x8FFFFFFF  }
0x98: {  	s19 =	sld [smem:$0x3FDB];
	_ =	sdelay $0x1  }
0x99: {  	s4 =	simm.s32 $_scs_section_size  }
0x9a: {  	s5 =	simm.s32 $_size__tile_overlayer_lowered;
	s6 =	simm.s32 $_tile_overlayer_lowered  }
0x9b: {  	s22 =	simm.s32 $0x1BFF;
	s21 =	sshll.u32 s6, $0x1;
	s3 =	sadd.s32 s4, s19  }
0x9c: {  	s7 =	simm.s32 $0x0;
	s20 =	sshll.u32 s5, $0x1;
	s5 =	sadd.s32 s21, s3  }
0x9d: {  	[timem:s7], [sflag:s22] =	dma.local [hbm:s5], s20  }
0x9e: {  	_ =	swait.ge [sflag:s22], s20  }
0x9f: {  	s4 =	ssub.s32 $0x0, s20;
	[sflag:s22] =	ssyncset.done $0x0  }
0xa0: {  	[sflag:s22] =	ssyncadd.s32 s4;
	_ =	sdelay $0x1  }
0xa1: {  	s23 =	simm.s32 $0x1B8B  }
0xa2: {  	_ =	swait.ge [sflag:s23], $0x1  }
0xa3: {  	[sflag:s23] =	ssyncset.done $0x0  }
0xa4: {  	s25 =	simm.s32 $0x1B8E;
	s24 =	sld [smem:$0x3FFE];
	[sflag:s23] =	ssyncadd.s32 $0xFFFFFFFF  }
0xa5: {  	s26 =	simm.s32 $execute0_lowered;
	[smem:$0x3FD2] =	sst s25  }
0xa6: {  	s5 =	sshll.u32 s26, $0x1;
	_ =	strace $0x80000046;
	[dreg:$0x1] =	wrdreg $0xFFFFFFFF  }
0xa7: {  	s28 =	simm.s32 $_size_execute0_lowered;
	s3 =	sadd.s32 s3, s5;
	[dreg:$0x0] =	wrdreg $0x0  }
0xa8: {  	s5 =	sshll.u32 s28, $0x1;
	[dreg:$0x2] =	wrdreg s3  }
0xa9: {  	[dreg:$0x3] =	wrdreg s5  }
0xaa: {  	[dreg:$0x4] =	wrdreg $0xC0  }
0xab: {  	_ =	task [dreg:s7], $0x5FFFF  }
0xac: {  	[dreg:$0x1] =	wrdreg $0xFFFFFFFF  }
0xad: {  	[dreg:$0x0] =	wrdreg $0x60  }
0xae: {  	[dreg:$0x2] =	wrdreg s24  }
0xaf: {  	[dreg:$0x3] =	wrdreg s2  }
0xb0: {  	[dreg:$0x4] =	wrdreg $0x9  }
0xb1: {  	_ =	task.clear_ibuf [dreg:s7], $0x5FFFF;
	_ =	strace $0x90000046  }
0xb2: {  	s29 =	simm.s32 $0x9;
	_ =	strace $0x80000048  }
0xb3: {  	_ =	swait.ge [sflag:s29], $0x1  }
0xb4: {  	[sflag:s29] =	ssyncadd.s32 $0xFFFFFFFF  }
0xb5: {  	_ =	strace $0x90000048  }
0xb6: {  	_ =	sfence  }
0xb7: {  	s30 =	sld [smem:$0x0];
	_ =	sdelay $0x2  }
0xb8: {  	s31 =	sshll.u32 s1, $0xD;
	s1 =	sshrl.u32 s1, $0x2  }
0xb9: {  	s3 =	sand.u32 $0x4000, s31;
	s1 =	sadd.s32 s1, s30  }
0xba: {  	s0 =	sor.u32 s3, s0;
	s1 =	sshll.u32 s1, $0x11  }
0xbb: {  	s0 =	sor.u32 s1, s0  }
0xbc: {  	s0 =	sadd.s32 $0x8F2B, s0  }
0xbd: {  	[sflag:s0] =	ssyncadd.remote.s32 $0x1  }
0xbe: {  	_ =	sfence.sel $0xFFFF  }
0xbf: {  	[dreg:$0x0] =	wrdreg $0xFFFFFFFF;
	(pc) =	sbr.abs _section_cstart, $3  }
0xc0: {  	[dreg:$0x1] =	wrdreg $0xFFFFFFFF  }
0xc1: {  	_ =	task.clear_ibuf [dreg:s7], $0x2FFFF;
	_ =	strace $0x9FFFFFFF  }
0xc2: {  	(tm) =	ssettm $0x7FFFFFFF  }
0xc3: {  	_ =	shalt  }
tec
execute0_lowered:
.L_overlay_start_1:
0x0: {  	(tag) =	ssettag $0x1  }
0x1: {  	s0 =	rddreg [dreg:$0x0]  }
0x2: {  	s1 =	srdreg.scid;
	s2 =	stileid.u32  }
0x3: {  	s9 =	simm.s32 $0x0;
	s8 =	simm.s32 $0x1;
	s1 =	sand.u32 $0x1, s1  }
0x4: {  	s2 =	sshll.u32 s2, $0xC;
	s3 =	sshll.u32 s1, $0xB;
	s1 =	ssub.s32 $0x2, s1  }
.Ltmp0:
0x5: {  	s2 =	sor.u32 s3, s2;
	s29 =	sshrl.u32 s1, $0x1;
	(pc) =	sbr.rel .LBB2_1-.Ltmp0, $4  }
0x6: {  	[dreg:$0x3] =	wrdreg s2;
	s2 =	sshrl.u32 s2, $0x3;
	s1 =	ssub.s32 s1, s29  }
0x7: {  	[smem:$0x7FF] =	sst s9;
	s2 =	sadd.s32 s2, s0;
	s31 =	smax.u32 s1, $0x1  }
0x8: {  	_ =	strace $0x80000047;
	s30 =	sadd.s32 $0x800, s2;
	[dreg:$0x5] =	wrdreg s31  }
0x9: {  	s5 =	sadd.s32 $0x1000800, s0;
	s1 =	simm.s32 $0x0;
	[dreg:$0x4] =	wrdreg s30  }
.LBB2_43:
0xa: {  	s1 =	rddreg [dreg:$0x6]  }
0xb: {  	s0 =	rddreg [dreg:$0x5];
	s1 =	sadd.s32 $0x1, s1  }
0xc: {  	p0 =	sne.s32 s1, s0  }
.Ltmp1:
0xd: {  	_ = 	snop;
	(pc) =	sbr.rel @!p0 .LBB2_44-.Ltmp1, $1  }
0xe: {  	_ =	sdelay $0x3  }
.LBB2_1:
0xf: {  	[dreg:$0x6] =	wrdreg s1  }
.Ltmp2:
0x10: {  	s0 =	rddreg [dreg:$0x4];
	(pc) =	sbr.rel .LBB2_2-.Ltmp2, $4  }
0x11: {  	[tilespmem:s9], [sflag:$0x1] =	stream.linear.gather [hbm4b:s0+s9], $0x810, $0x38;
	[tilespmem:$0xC810] =	vst v63  }
0x12: {  	_ =	swait.ge [sflag:s8], $0x810  }
0x13: {  	s31 =	simm.s32 $0x0;
	[sflag:s8] =	ssyncset.done $0x0  }
0x14: {  	s1 =	simm.s32 $0x0;
	[dreg:$0x7] =	wrdreg s31;
	[sflag:s8] =	ssyncadd.s32 $0xFFFFF7F0  }
.LBB2_42:
0x15: {  	_ =	swait.ge [sflag:s8], $0x4000  }
0x16: {  	s0 =	rddreg [dreg:$0x3];
	[sflag:s8] =	ssyncset.done $0x0  }
0x17: {  	s0 =	sadd.s32 s0, s16;
	[sflag:s8] =	ssyncadd.s32 $0xFFFFC000  }
0x18: {  	s0 =	sshll.u32 s0, $0x3;
	s1 =	rddreg [dreg:$0x1]  }
0x19: {  	s29 =	simm.s32 $0x8810;
	s0 =	sadd.s32 s1, s0  }
0x1a: {  	[hbm4b:s0+s9] =	stream.linear.scatter [tilespmem:s29], [sflag:$0x1], $0x4000, $0x38;
	[tilespmem:$0xC810] =	vst v63  }
0x1b: {  	_ =	swait.ge [sflag:s8], $0x4000  }
0x1c: {  	s30 =	rddreg [dreg:$0x8]  }
0x1d: {  	s1 =	sadd.s32 $0x1, s30  }
0x1e: {  	p0 =	sne.s32 s1, $0x8  }
.Ltmp3:
0x1f: {  	_ = 	snop;
	(pc) =	sbr.rel @!p0 .LBB2_43-.Ltmp3, $4  }
0x20: {  	_ = 	snop  }
0x21: {  	s31 =	rddreg [dreg:$0x7]  }
0x22: {  	[sflag:s8] =	ssyncset.done $0x0;
	s0 =	sadd.s32 $0x100, s31  }
0x23: {  	[sflag:s8] =	ssyncadd.s32 $0xFFFFC000;
	[dreg:$0x7] =	wrdreg s0  }
.LBB2_2:
0x24: {  	s16 =	sshll.u32 s1, $0x8  }
0x25: {  	v0 =	vld [tilespmem:s16+$0x0];
	_ =	sdelay $0x3  }
0x26: {  	v63 =	vld [tilespmem:s16+$0x100]  }
0x27: {  	(v2sf) =	vpush v0, $0x0;
	_ =	sdelay $0x3  }
0x28: {  	(v2sf) =	vpush v63, $0x0;
	_ =	sdelay $0xa  }
0x29: {  	s25 =	spop (v2sf)  }
0x2a: {  	s2 =	sand.u32 $0xFFFFFFF8, s25  }
0x2b: {  	p0 =	slt.s32 s2, $0xFFF00;
	s0 =	smov.u32 s2  }
0x2c: {  	s0 =	simm.s32 @!p0 $0xFFF00  }
0x2d: {  	s18 =	spop (v2sf);
	s0 =	sshll.u32 s0, $0x3  }
0x2e: {  	s30 =	sand.u32 $0x1FFFFFC0, s0;
	s0 =	ssub.s32 s18, s2  }
0x2f: {  	p0 =	slt.s32 s0, $0xFFFFFF01  }
.Ltmp4:
0x30: {  	_ = 	snop;
	(pc) =	sbr.rel @p0 .LBB2_42-.Ltmp4, $4  }
0x31: {  	_ = 	snop  }
0x32: {  	[dreg:$0x8] =	wrdreg s1  }
0x33: {  	s31 =	simm.s32 $0x810;
	[dreg:$0x9] =	wrdreg s2;
	s1 =	sadd.s32 s5, s30  }
0x34: {  	[tilespmem:s31], [sflag:$0x1] =	stream.linear.gather [hbm4b:s1+s9], $0x4000, $0x38;
	[tilespmem:$0xC810] =	vst v63  }
0x35: {  	s1 =	sshra.s32 s0, $0x1F  }
0x36: {  	s1 =	sshrl.u32 s1, $0x18  }
.Ltmp5:
0x37: {  	s31 =	sadd.s32 s1, s0;
	(pc) =	sbr.rel .LBB2_4-.Ltmp5, $4  }
0x38: {  	s23 =	rddreg [dreg:$0x9];
	s0 =	sshra.s32 s31, $0x8  }
0x39: {  	s24 =	sadd.s32 $0x200, s23;
	s0 =	sadd.s32 $0x2, s0  }
0x3a: {  	v0 =	vimm.f32 $0.0e+00;
	s22 =	simm.s32 $0x0;
	[dreg:$0xa] =	wrdreg s24;
	s0 =	sshrl.u32 s0, $0x1  }
0x3b: {  	v1 =	vimm.f32 $0.0e+00;
	v2 =	vimm.f32 $0.0e+00;
	v3 =	vimm.f32 $0.0e+00;
	s29 =	smov.u32 s16;
	s21 =	sadd.s32 $0x100, s23;
	[dreg:$0xb] =	wrdreg s0  }
.LBB2_41:
0x3c: {  	s22 =	sadd.s32 $0x1, s22;
	s0 =	rddreg [dreg:$0xb]  }
0x3d: {  	p0 =	sne.s32 s22, s0  }
.Ltmp6:
0x3e: {  	_ = 	snop;
	(pc) =	sbr.rel @!p0 .LBB2_42-.Ltmp6, $2  }
0x3f: {  	_ =	sdelay $0x2  }
0x40: {  	s21 =	sadd.s32 $0x200, s21;
	s24 =	sadd.s32 $0x200, s24;
	s23 =	sadd.s32 $0x200, s23;
	v1 =	vmov v6;
	v2 =	vmov v5;
	v3 =	vmov v4  }
.LBB2_4:
0x41: {  	s30 =	sshll.u32 s22, $0x9;
	s0 =	rddreg [dreg:$0x9]  }
0x42: {  	s0 =	sadd.s32 s30, s0  }
0x43: {  	s0 =	sadd.s32 $0x100, s0  }
0x44: {  	p0 =	slt.s32 s0, $0xFFF00;
	s1 =	smov.u32 s0  }
0x45: {  	s1 =	simm.s32 @!p0 $0xFFF00  }
0x46: {  	s1 =	sshll.u32 s1, $0x3  }
0x47: {  	s1 =	sand.u32 $0x1FFFFFC0, s1  }
0x48: {  	s2 =	simm.s32 $0x4810;
	s1 =	sadd.s32 s5, s1  }
0x49: {  	[tilespmem:s2], [sflag:$0x2] =	stream.linear.gather [hbm4b:s1+s9], $0x4000, $0x38;
	[tilespmem:$0xC810] =	vst v63  }
0x4a: {  	_ =	swait.ge [sflag:s8], $0x4000  }
0x4b: {  	[sflag:s8] =	ssyncset.done $0x0  }
0x4c: {  	[sflag:s8] =	ssyncadd.s32 $0xFFFFC000  }
0x4d: {  	v4 =	vld [tilespmem:s16+$0x1]  }
0x4e: {  	v5 =	vld [tilespmem:s16+$0x11]  }
0x4f: {  	v6 =	vld [tilespmem:s16+$0x21]  }
0x50: {  	s26 =	smov.u32 s18;
	p0 =	slt.s32 s0, s18;
	v7 =	vld [tilespmem:s16+$0x31]  }
0x51: {  	s26 =	smov.u32 @p0 s0;
	v8 =	vld [tilespmem:s16+$0x41]  }
0x52: {  	vm0 =	vle.s32 v4, s26;
	v4 =	vld [tilespmem:s16+$0x51]  }
0x53: {  	vm13 =	vle.s32 v5, s26;
	v5 =	vld [tilespmem:s16+$0x61];
	v9 =	vmpcnt.ones.xlane vm0  }
0x54: {  	v48 =	vld [tilespmem:s16+$0x71];
	vm14 =	vle.s32 v6, s26;
	v10 =	vmpcnt.ones.xlane vm13  }
0x55: {  	v50 =	vld [tilespmem:s16+$0x81];
	vm15 =	vle.s32 v7, s26;
	v49 =	vmpcnt.ones.xlane vm14;
	(v2sf) =	vpush v9, $0x0  }
0x56: {  	v52 =	vld [tilespmem:s16+$0x91];
	vm4 =	vle.s32 v8, s26;
	v51 =	vmpcnt.ones.xlane vm15;
	(v2sf) =	vpush v10, $0x0  }
0x57: {  	v53 =	vmpcnt.ones.xlane vm4;
	(v2sf) =	vpush v49, $0x0;
	vm5 =	vle.s32 v4, s26;
	v4 =	vld [tilespmem:s16+$0xA1]  }
0x58: {  	vm6 =	vle.s32 v5, s26;
	v5 =	vld [tilespmem:s16+$0xB1];
	(v2sf) =	vpush v51, $0x0;
	v54 =	vmpcnt.ones.xlane vm5  }
0x59: {  	v56 =	vld [tilespmem:s16+$0xC1];
	vm7 =	vle.s32 v48, s26;
	v55 =	vmpcnt.ones.xlane vm6;
	(v2sf) =	vpush v53, $0x0  }
0x5a: {  	v58 =	vld [tilespmem:s16+$0xD1];
	vm8 =	vle.s32 v50, s26;
	v57 =	vmpcnt.ones.xlane vm7;
	(v2sf) =	vpush v54, $0x0  }
0x5b: {  	v60 =	vld [tilespmem:s16+$0xE1];
	vm9 =	vle.s32 v52, s26;
	v59 =	vmpcnt.ones.xlane vm8;
	(v2sf) =	vpush v55, $0x0  }
0x5c: {  	v61 =	vmpcnt.ones.xlane vm9;
	(v2sf) =	vpush v57, $0x0;
	vm10 =	vle.s32 v4, s26;
	v4 =	vld [tilespmem:s16+$0xF1]  }
0x5d: {  	vm11 =	vle.s32 v5, s26;
	(v2sf) =	vpush v59, $0x0;
	v62 =	vmpcnt.ones.xlane vm10  }
0x5e: {  	vm12 =	vle.s32 v56, s26;
	v5 =	vmpcnt.ones.xlane vm11;
	(v2sf) =	vpush v61, $0x0  }
0x5f: {  	v6 =	vmpcnt.ones.xlane vm12;
	vm13 =	vle.s32 v58, s26;
	(v2sf) =	vpush v62, $0x0  }
0x60: {  	vm14 =	vle.s32 v60, s26;
	(v2sf) =	vpush v5, $0x0;
	v5 =	vmpcnt.ones.xlane vm13  }
0x61: {  	v63 =	vmpcnt.ones.xlane vm14;
	(v2sf) =	vpush v6, $0x0;
	vm15 =	vle.s32 v4, s26  }
0x62: {  	(v2sf) =	vpush v5, $0x0;
	v4 =	vmpcnt.ones.xlane vm15  }
0x63: {  	(v2sf) =	vpush v63, $0x0  }
0x64: {  	s1 =	spop (v2sf);
	(v2sf) =	vpush v4, $0x0  }
0x65: {  	s4 =	spop (v2sf)  }
0x66: {  	s2 =	spop (v2sf);
	s20 =	sadd.s32 s1, s4  }
0x67: {  	s6 =	spop (v2sf);
	s0 =	sadd.s32 s20, s2  }
0x68: {  	s7 =	spop (v2sf);
	s0 =	sadd.s32 s0, s6  }
0x69: {  	s12 =	spop (v2sf);
	s0 =	sadd.s32 s0, s7  }
0x6a: {  	s13 =	spop (v2sf);
	s0 =	sadd.s32 s0, s12  }
0x6b: {  	s28 =	spop (v2sf);
	s0 =	sadd.s32 s0, s13  }
0x6c: {  	s10 =	spop (v2sf);
	s0 =	sadd.s32 s0, s28  }
0x6d: {  	s15 =	spop (v2sf);
	s0 =	sadd.s32 s0, s10  }
0x6e: {  	s9 =	spop (v2sf);
	s0 =	sadd.s32 s0, s15  }
0x6f: {  	s14 =	spop (v2sf);
	s0 =	sadd.s32 s0, s9  }
0x70: {  	s3 =	spop (v2sf);
	s0 =	sadd.s32 s0, s14  }
0x71: {  	s20 =	spop (v2sf);
	s0 =	sadd.s32 s0, s3  }
0x72: {  	s19 =	spop (v2sf);
	s0 =	sadd.s32 s0, s20  }
0x73: {  	s0 =	sadd.s32 s0, s19;
	s17 =	spop (v2sf)  }
0x74: {  	s31 =	ssub.s32 s16, s29;
	s0 =	sadd.s32 s0, s17  }
0x75: {  	p0 =	slt.s32 s23, $0xFFF00;
	s0 =	sadd.s32 s0, s31;
	s31 =	smov.u32 s23  }
0x76: {  	s31 =	simm.s32 @!p0 $0xFFF00;
	p0 =	slt.s32 s0, $0x1  }
.Ltmp7:
0x77: {  	_ = 	snop;
	(pc) =	sbr.rel @p0 .LBB2_5-.Ltmp7, $2  }
0x78: {  	_ =	sdelay $0x2  }
0x79: {  	s0 =	sshll.u32 s31, $0x8  }
0x7a: {  	s11 =	rddreg [dreg:$0x7]  }
0x7b: {  	s4 =	sadd.s32 s4, s11  }
0x7c: {  	s1 =	sadd.s32 s1, s4  }
0x7d: {  	s1 =	sadd.s32 s2, s1  }
0x7e: {  	s1 =	sadd.s32 s6, s1  }
0x7f: {  	s1 =	sadd.s32 s7, s1  }
0x80: {  	s1 =	sadd.s32 s12, s1  }
0x81: {  	s1 =	sadd.s32 s13, s1  }
0x82: {  	s1 =	sadd.s32 s28, s1  }
0x83: {  	s1 =	sadd.s32 s10, s1  }
0x84: {  	s1 =	sadd.s32 s15, s1  }
0x85: {  	s1 =	sadd.s32 s9, s1  }
0x86: {  	s1 =	sadd.s32 s14, s1  }
0x87: {  	s1 =	sadd.s32 s3, s1  }
0x88: {  	s1 =	sadd.s32 s20, s1  }
0x89: {  	s1 =	sadd.s32 s19, s1  }
.Ltmp8:
0x8a: {  	s1 =	sadd.s32 s17, s1;
	(pc) =	sbr.rel .LBB2_7-.Ltmp8, $4  }
0x8b: {  	s2 =	ssub.s32 s1, s29  }
0x8c: {  	s19 =	ssub.s32 $0x0, s0;
	p0 =	sgt.s32 s2, $0x1  }
0x8d: {  	s9 =	simm.s32 $0x0;
	s20 =	sshra.s32 s19, $0x2;
	s2 =	simm.s32 @!p0 $0x1  }
0x8e: {  	s1 =	ssub.s32 $0x0, s31;
	s6 =	sadd.s32 $0x890, s20;
	s28 =	sadd.s32 s2, s29  }
.LBB2_14:
0x8f: {  	s2 =	ssub.s32 s29, s16;
	s29 =	sadd.s32 $0x1, s29  }
0x90: {  	s2 =	sshll.u32 s2, $0x8;
	p0 =	sne.s32 s29, s28  }
.Ltmp9:
0x91: {  	s2 =	sshra.s32 s2, $0x2;
	(pc) =	sbr.rel @!p0 .LBB2_15-.Ltmp9, $4  }
0x92: {  	[tilespmem:s2+$0x8810] =	vst v3  }
0x93: {  	[tilespmem:s2+$0x8820] =	vst v2  }
0x94: {  	[tilespmem:s2+$0x8840] =	vst v0;
	v0 =	vimm.f32 $0.0e+00  }
0x95: {  	s25 =	smov.u32 s7;
	[tilespmem:s2+$0x8830] =	vst v1;
	v1 =	vimm.f32 $0.0e+00;
	v2 =	vimm.f32 $0.0e+00;
	v3 =	vimm.f32 $0.0e+00  }
.LBB2_7:
0x96: {  	v4 =	vld [tilespmem:s29+$0x1];
	_ =	sdelay $0x4  }
0x97: {  	(v2sf) =	vpush v4, $0x0;
	_ =	sdelay $0xe  }
0x98: {  	s7 =	spop (v2sf)  }
0x99: {  	s13 =	ssub.s32 s7, s25  }
0x9a: {  	s2 =	sshra.s32 s13, $0x1F  }
0x9b: {  	s2 =	sshrl.u32 s2, $0x1E  }
0x9c: {  	s2 =	sadd.s32 s2, s13  }
0x9d: {  	s2 =	sand.u32 $0xFFFFFFFC, s2  }
0x9e: {  	s12 =	sadd.s32 s25, s2  }
0x9f: {  	p0 =	sge.s32 s25, s12  }
.Ltmp10:
0xa0: {  	_ = 	snop;
	(pc) =	sbr.rel @p0 .LBB2_11-.Ltmp10, $1  }
0xa1: {  	_ =	sdelay $0x3  }
0xa2: {  	s3 =	sshll.u32 s25, $0x8  }
0xa3: {  	s3 =	sshra.s32 s3, $0x2  }
0xa4: {  	s3 =	sadd.s32 s3, s6  }
0xa5: {  	v4 =	vld [tilespmem:s3+$0x40]  }
0xa6: {  	v6 =	vld [tilespmem:s3+$0x50]  }
0xa7: {  	v5 =	vld [tilespmem:s3+$0x0]  }
0xa8: {  	v7 =	vld [tilespmem:s3+$0x10]  }
0xa9: {  	v11 =	vld [tilespmem:s3+$0xFFFFFFC0]  }
0xaa: {  	v13 =	vld [tilespmem:s3+$0xFFFFFFD0]  }
0xab: {  	v12 =	vld [tilespmem:s3+$0xFFFFFF80]  }
0xac: {  	v14 =	vld [tilespmem:s3+$0xFFFFFF90]  }
0xad: {  	v15 =	vld [tilespmem:s3+$0xFFFFFFA0]  }
0xae: {  	s25 =	sadd.s32 $0x4, s25;
	v16 =	vld [tilespmem:s3+$0xFFFFFFB0]  }
0xaf: {  	p0 =	slt.s32 s25, s12;
	v9 =	vld [tilespmem:s3+$0xFFFFFFE0]  }
.Ltmp11:
0xb0: {  	v10 =	vld [tilespmem:s3+$0xFFFFFFF0];
	(pc) =	sbr.rel @!p0 .LBB2_10-.Ltmp11, $4  }
0xb1: {  	v8 =	vld [tilespmem:s3+$0x20]  }
0xb2: {  	v12 =	vadd.f32 v12, v3;
	v14 =	vadd.f32 v14, v2;
	v2 =	vld [tilespmem:s3+$0x30]  }
0xb3: {  	v1 =	vadd.f32 v15, v1;
	v3 =	vadd.f32 v16, v0;
	v0 =	vld [tilespmem:s3+$0x60]  }
0xb4: {  	s4 =	sadd.s32 $0x100, s3;
	v12 =	vadd.f32 v11, v12;
	v13 =	vadd.f32 v13, v14;
	v11 =	vld [tilespmem:s3+$0x70]  }
.LBB2_9:
0xb5: {  	v14 =	vld [tilespmem:s4+$0x40];
	v1 =	vadd.f32 v9, v1;
	v3 =	vadd.f32 v10, v3  }
0xb6: {  	v9 =	vld [tilespmem:s4+$0x50];
	v10 =	vadd.f32 v5, v12;
	v12 =	vadd.f32 v7, v13  }
0xb7: {  	v5 =	vld [tilespmem:s4+$0x0];
	v1 =	vadd.f32 v8, v1;
	v2 =	vadd.f32 v2, v3  }
0xb8: {  	v7 =	vld [tilespmem:s4+$0x10];
	v3 =	vadd.f32 v4, v10;
	v12 =	vadd.f32 v6, v12  }
0xb9: {  	v13 =	vld [tilespmem:s4+$0xFFFFFFC0];
	v0 =	vadd.f32 v0, v1;
	v11 =	vadd.f32 v11, v2  }
0xba: {  	v15 =	vld [tilespmem:s4+$0xFFFFFFD0];
	v4 =	vmov v14  }
0xbb: {  	v1 =	vld [tilespmem:s4+$0xFFFFFF80];
	v6 =	vmov v9  }
0xbc: {  	v2 =	vld [tilespmem:s4+$0xFFFFFF90]  }
0xbd: {  	v14 =	vld [tilespmem:s4+$0xFFFFFFA0]  }
0xbe: {  	s25 =	sadd.s32 $0x4, s25;
	v16 =	vld [tilespmem:s4+$0xFFFFFFB0]  }
0xbf: {  	p0 =	slt.s32 s25, s12;
	v9 =	vld [tilespmem:s4+$0xFFFFFFE0]  }
.Ltmp12:
0xc0: {  	v10 =	vld [tilespmem:s4+$0xFFFFFFF0];
	(pc) =	sbr.rel @p0 .LBB2_9-.Ltmp12, $4  }
0xc1: {  	v8 =	vld [tilespmem:s4+$0x20]  }
0xc2: {  	v17 =	vadd.f32 v1, v3;
	v18 =	vadd.f32 v2, v12;
	v2 =	vld [tilespmem:s4+$0x30]  }
0xc3: {  	v1 =	vadd.f32 v14, v0;
	v3 =	vadd.f32 v16, v11;
	v0 =	vld [tilespmem:s4+$0x60]  }
0xc4: {  	v12 =	vadd.f32 v13, v17;
	v13 =	vadd.f32 v15, v18;
	v11 =	vld [tilespmem:s4+$0x70];
	s4 =	sadd.s32 $0x100, s4  }
.LBB2_10:
0xc5: {  	v1 =	vadd.f32 v9, v1;
	v3 =	vadd.f32 v10, v3  }
0xc6: {  	v5 =	vadd.f32 v5, v12;
	v7 =	vadd.f32 v7, v13  }
0xc7: {  	v1 =	vadd.f32 v8, v1;
	v63 =	vadd.f32 v2, v3  }
0xc8: {  	v3 =	vadd.f32 v4, v5;
	v2 =	vadd.f32 v6, v7  }
0xc9: {  	v1 =	vadd.f32 v0, v1;
	v0 =	vadd.f32 v11, v63  }
.LBB2_11:
0xca: {  	p0 =	sge.s32 s12, s7  }
.Ltmp13:
0xcb: {  	_ = 	snop;
	(pc) =	sbr.rel @p0 .LBB2_14-.Ltmp13, $1  }
0xcc: {  	_ =	sdelay $0x3  }
0xcd: {  	s2 =	ssub.s32 s13, s2;
	s3 =	sadd.s32 s7, s1  }
0xce: {  	s3 =	ssub.s32 s3, s2  }
0xcf: {  	s3 =	sshll.u32 s3, $0x8  }
0xd0: {  	s3 =	sshra.s32 s3, $0x2  }
0xd1: {  	s3 =	sadd.s32 $0x830, s3  }
.LBB2_13:
0xd2: {  	v4 =	vld [tilespmem:s3+$0xFFFFFFE0]  }
0xd3: {  	v5 =	vld [tilespmem:s3+$0xFFFFFFF0]  }
0xd4: {  	v6 =	vld [tilespmem:s3+$0x0]  }
0xd5: {  	v7 =	vld [tilespmem:s3+$0x10];
	p0 =	sne.s32 s2, $0x1  }
.Ltmp14:
0xd6: {  	_ = 	snop;
	(pc) =	sbr.rel @p0 .LBB2_13-.Ltmp14, $3  }
0xd7: {  	_ =	sdelay $0x1  }
0xd8: {  	v3 =	vadd.f32 v4, v3;
	v2 =	vadd.f32 v5, v2  }
0xd9: {  	s3 =	sadd.s32 $0x40, s3;
	s2 =	sadd.s32 $0xFFFFFFFF, s2;
	v1 =	vadd.f32 v6, v1;
	v0 =	vadd.f32 v7, v0  }
.Ltmp15:
0xda: {  	_ = 	snop;
	(pc) =	sbr.rel .LBB2_14-.Ltmp15, $1  }
0xdb: {  	_ =	sdelay $0x3  }
.LBB2_15:
.Ltmp16:
0xdc: {  	(pc) =	sbr.rel .LBB2_16-.Ltmp16, $2  }
0xdd: {  	_ =	sdelay $0x2  }
0xde: {  	s25 =	smov.u32 s7;
	v3 =	vimm.f32 $0.0e+00;
	v2 =	vimm.f32 $0.0e+00;
	v1 =	vimm.f32 $0.0e+00  }
.LBB2_5:
0xdf: {  	s28 =	smov.u32 s29;
	s9 =	simm.s32 $0x0  }
.LBB2_16:
0xe0: {  	s1 =	ssub.s32 s26, s25  }
0xe1: {  	s2 =	sshra.s32 s1, $0x1F  }
0xe2: {  	s2 =	sshrl.u32 s2, $0x1E  }
0xe3: {  	s2 =	sadd.s32 s2, s1  }
0xe4: {  	s6 =	sand.u32 $0xFFFFFFFC, s2  }
0xe5: {  	s2 =	sadd.s32 s25, s6  }
0xe6: {  	p0 =	sge.s32 s25, s2  }
.Ltmp17:
0xe7: {  	_ = 	snop;
	(pc) =	sbr.rel @p0 .LBB2_20-.Ltmp17, $1  }
0xe8: {  	_ =	sdelay $0x3  }
0xe9: {  	s3 =	sshll.u32 s25, $0x8  }
0xea: {  	s0 =	ssub.s32 s3, s0  }
0xeb: {  	s0 =	sshra.s32 s0, $0x2  }
0xec: {  	s29 =	sadd.s32 $0x890, s0  }
0xed: {  	v4 =	vld [tilespmem:s29+$0x40]  }
0xee: {  	v6 =	vld [tilespmem:s29+$0x50]  }
0xef: {  	v5 =	vld [tilespmem:s29+$0x0]  }
0xf0: {  	v7 =	vld [tilespmem:s29+$0x10]  }
0xf1: {  	v11 =	vld [tilespmem:s29+$0xFFFFFFC0]  }
0xf2: {  	v13 =	vld [tilespmem:s29+$0xFFFFFFD0]  }
0xf3: {  	v12 =	vld [tilespmem:s29+$0xFFFFFF80]  }
0xf4: {  	v14 =	vld [tilespmem:s29+$0xFFFFFF90]  }
0xf5: {  	v15 =	vld [tilespmem:s29+$0xFFFFFFA0]  }
0xf6: {  	s0 =	sadd.s32 $0x4, s25;
	v16 =	vld [tilespmem:s29+$0xFFFFFFB0]  }
0xf7: {  	v9 =	vld [tilespmem:s29+$0xFFFFFFE0];
	p0 =	slt.s32 s0, s2  }
.Ltmp18:
0xf8: {  	v10 =	vld [tilespmem:s29+$0xFFFFFFF0];
	(pc) =	sbr.rel @!p0 .LBB2_19-.Ltmp18, $4  }
0xf9: {  	v8 =	vld [tilespmem:s29+$0x20]  }
0xfa: {  	v12 =	vadd.f32 v12, v3;
	v14 =	vadd.f32 v14, v2;
	v2 =	vld [tilespmem:s29+$0x30]  }
0xfb: {  	v1 =	vadd.f32 v15, v1;
	v3 =	vadd.f32 v16, v0;
	v0 =	vld [tilespmem:s29+$0x60]  }
0xfc: {  	s4 =	sadd.s32 $0x100, s29;
	v12 =	vadd.f32 v11, v12;
	v13 =	vadd.f32 v13, v14;
	v11 =	vld [tilespmem:s29+$0x70]  }
.LBB2_18:
0xfd: {  	v14 =	vld [tilespmem:s4+$0x40];
	v1 =	vadd.f32 v9, v1;
	v3 =	vadd.f32 v10, v3  }
0xfe: {  	v9 =	vld [tilespmem:s4+$0x50];
	v10 =	vadd.f32 v5, v12;
	v12 =	vadd.f32 v7, v13  }
0xff: {  	v5 =	vld [tilespmem:s4+$0x0];
	v1 =	vadd.f32 v8, v1;
	v2 =	vadd.f32 v2, v3  }
0x100: {  	v7 =	vld [tilespmem:s4+$0x10];
	v3 =	vadd.f32 v4, v10;
	v12 =	vadd.f32 v6, v12  }
0x101: {  	v13 =	vld [tilespmem:s4+$0xFFFFFFC0];
	v0 =	vadd.f32 v0, v1;
	v11 =	vadd.f32 v11, v2  }
0x102: {  	v15 =	vld [tilespmem:s4+$0xFFFFFFD0];
	v4 =	vmov v14  }
0x103: {  	v1 =	vld [tilespmem:s4+$0xFFFFFF80];
	v6 =	vmov v9  }
0x104: {  	v2 =	vld [tilespmem:s4+$0xFFFFFF90]  }
0x105: {  	v14 =	vld [tilespmem:s4+$0xFFFFFFA0]  }
0x106: {  	s0 =	sadd.s32 $0x4, s0;
	v16 =	vld [tilespmem:s4+$0xFFFFFFB0]  }
0x107: {  	p0 =	slt.s32 s0, s2;
	v9 =	vld [tilespmem:s4+$0xFFFFFFE0]  }
.Ltmp19:
0x108: {  	v10 =	vld [tilespmem:s4+$0xFFFFFFF0];
	(pc) =	sbr.rel @p0 .LBB2_18-.Ltmp19, $4  }
0x109: {  	v8 =	vld [tilespmem:s4+$0x20]  }
0x10a: {  	v17 =	vadd.f32 v1, v3;
	v18 =	vadd.f32 v2, v12;
	v2 =	vld [tilespmem:s4+$0x30]  }
0x10b: {  	v1 =	vadd.f32 v14, v0;
	v3 =	vadd.f32 v16, v11;
	v0 =	vld [tilespmem:s4+$0x60]  }
0x10c: {  	v12 =	vadd.f32 v13, v17;
	v13 =	vadd.f32 v15, v18;
	v11 =	vld [tilespmem:s4+$0x70];
	s4 =	sadd.s32 $0x100, s4  }
.LBB2_19:
0x10d: {  	v1 =	vadd.f32 v9, v1;
	v3 =	vadd.f32 v10, v3  }
0x10e: {  	v5 =	vadd.f32 v5, v12;
	v7 =	vadd.f32 v7, v13  }
0x10f: {  	v1 =	vadd.f32 v8, v1;
	v63 =	vadd.f32 v2, v3  }
0x110: {  	v3 =	vadd.f32 v4, v5;
	v2 =	vadd.f32 v6, v7  }
0x111: {  	v1 =	vadd.f32 v0, v1;
	v0 =	vadd.f32 v11, v63  }
.LBB2_20:
0x112: {  	p0 =	sge.s32 s2, s26  }
.Ltmp20:
0x113: {  	_ = 	snop;
	(pc) =	sbr.rel @p0 .LBB2_23-.Ltmp20, $1  }
0x114: {  	_ =	sdelay $0x3  }
0x115: {  	p0 =	slt.s32 s18, s21;
	s2 =	smov.u32 s21  }
0x116: {  	s0 =	ssub.s32 s1, s6;
	s2 =	smov.u32 @p0 s18  }
0x117: {  	s1 =	ssub.s32 s2, s0  }
0x118: {  	s1 =	ssub.s32 s1, s31  }
0x119: {  	s1 =	sshll.u32 s1, $0x8  }
0x11a: {  	s1 =	sshra.s32 s1, $0x2  }
0x11b: {  	s1 =	sadd.s32 $0x830, s1  }
.LBB2_22:
0x11c: {  	v4 =	vld [tilespmem:s1+$0xFFFFFFE0]  }
0x11d: {  	v5 =	vld [tilespmem:s1+$0xFFFFFFF0]  }
0x11e: {  	v6 =	vld [tilespmem:s1+$0x0]  }
0x11f: {  	v7 =	vld [tilespmem:s1+$0x10];
	p0 =	sne.s32 s0, $0x1  }
.Ltmp21:
0x120: {  	_ = 	snop;
	(pc) =	sbr.rel @p0 .LBB2_22-.Ltmp21, $3  }
0x121: {  	_ =	sdelay $0x1  }
0x122: {  	v3 =	vadd.f32 v4, v3;
	v2 =	vadd.f32 v5, v2  }
0x123: {  	s1 =	sadd.s32 $0x40, s1;
	s0 =	sadd.s32 $0xFFFFFFFF, s0;
	v1 =	vadd.f32 v6, v1;
	v0 =	vadd.f32 v7, v0  }
.LBB2_23:
0x124: {  	s0 =	rddreg [dreg:$0xa]  }
0x125: {  	s0 =	sadd.s32 s30, s0  }
0x126: {  	p0 =	slt.s32 s0, $0xFFF00;
	s1 =	smov.u32 s0  }
0x127: {  	s1 =	simm.s32 @!p0 $0xFFF00  }
0x128: {  	s1 =	sshll.u32 s1, $0x3  }
0x129: {  	s1 =	sand.u32 $0x1FFFFFC0, s1  }
0x12a: {  	s2 =	simm.s32 $0x810;
	s17 =	simm.s32 $0x2;
	s1 =	sadd.s32 s5, s1  }
0x12b: {  	[tilespmem:s2], [sflag:$0x1] =	stream.linear.gather [hbm4b:s1+s9], $0x4000, $0x38;
	[tilespmem:$0xC810] =	vst v63  }
0x12c: {  	_ =	swait.ge [sflag:s17], $0x4000  }
0x12d: {  	[sflag:s17] =	ssyncset.done $0x0  }
0x12e: {  	[sflag:s17] =	ssyncadd.s32 $0xFFFFC000  }
0x12f: {  	v4 =	vld [tilespmem:s16+$0x1]  }
0x130: {  	v5 =	vld [tilespmem:s16+$0x11]  }
0x131: {  	v6 =	vld [tilespmem:s16+$0x21]  }
0x132: {  	s25 =	smov.u32 s18;
	p0 =	slt.s32 s0, s18;
	v7 =	vld [tilespmem:s16+$0x31]  }
0x133: {  	s25 =	smov.u32 @p0 s0;
	v8 =	vld [tilespmem:s16+$0x41]  }
0x134: {  	vm0 =	vle.s32 v4, s25;
	v4 =	vld [tilespmem:s16+$0x51]  }
0x135: {  	vm13 =	vle.s32 v5, s25;
	v5 =	vld [tilespmem:s16+$0x61];
	v9 =	vmpcnt.ones.xlane vm0  }
0x136: {  	v48 =	vld [tilespmem:s16+$0x71];
	vm14 =	vle.s32 v6, s25;
	v10 =	vmpcnt.ones.xlane vm13  }
0x137: {  	v50 =	vld [tilespmem:s16+$0x81];
	vm15 =	vle.s32 v7, s25;
	v49 =	vmpcnt.ones.xlane vm14;
	(v2sf) =	vpush v9, $0x0  }
0x138: {  	v52 =	vld [tilespmem:s16+$0x91];
	vm4 =	vle.s32 v8, s25;
	v51 =	vmpcnt.ones.xlane vm15;
	(v2sf) =	vpush v10, $0x0  }
0x139: {  	v53 =	vmpcnt.ones.xlane vm4;
	(v2sf) =	vpush v49, $0x0;
	vm5 =	vle.s32 v4, s25;
	v4 =	vld [tilespmem:s16+$0xA1]  }
0x13a: {  	vm6 =	vle.s32 v5, s25;
	v5 =	vld [tilespmem:s16+$0xB1];
	(v2sf) =	vpush v51, $0x0;
	v54 =	vmpcnt.ones.xlane vm5  }
0x13b: {  	v56 =	vld [tilespmem:s16+$0xC1];
	vm7 =	vle.s32 v48, s25;
	v55 =	vmpcnt.ones.xlane vm6;
	(v2sf) =	vpush v53, $0x0  }
0x13c: {  	v58 =	vld [tilespmem:s16+$0xD1];
	vm8 =	vle.s32 v50, s25;
	v57 =	vmpcnt.ones.xlane vm7;
	(v2sf) =	vpush v54, $0x0  }
0x13d: {  	v60 =	vld [tilespmem:s16+$0xE1];
	vm9 =	vle.s32 v52, s25;
	v59 =	vmpcnt.ones.xlane vm8;
	(v2sf) =	vpush v55, $0x0  }
0x13e: {  	v61 =	vmpcnt.ones.xlane vm9;
	(v2sf) =	vpush v57, $0x0;
	vm10 =	vle.s32 v4, s25;
	v4 =	vld [tilespmem:s16+$0xF1]  }
0x13f: {  	vm11 =	vle.s32 v5, s25;
	(v2sf) =	vpush v59, $0x0;
	v62 =	vmpcnt.ones.xlane vm10  }
0x140: {  	vm12 =	vle.s32 v56, s25;
	v5 =	vmpcnt.ones.xlane vm11;
	(v2sf) =	vpush v61, $0x0  }
0x141: {  	v6 =	vmpcnt.ones.xlane vm12;
	vm13 =	vle.s32 v58, s25;
	(v2sf) =	vpush v62, $0x0  }
0x142: {  	vm14 =	vle.s32 v60, s25;
	(v2sf) =	vpush v5, $0x0;
	v5 =	vmpcnt.ones.xlane vm13  }
0x143: {  	v63 =	vmpcnt.ones.xlane vm14;
	(v2sf) =	vpush v6, $0x0;
	vm15 =	vle.s32 v4, s25  }
0x144: {  	(v2sf) =	vpush v5, $0x0;
	v4 =	vmpcnt.ones.xlane vm15  }
0x145: {  	(v2sf) =	vpush v63, $0x0  }
0x146: {  	s19 =	spop (v2sf);
	(v2sf) =	vpush v4, $0x0  }
0x147: {  	s20 =	spop (v2sf)  }
0x148: {  	s29 =	spop (v2sf);
	s0 =	sadd.s32 s19, s20  }
0x149: {  	s3 =	spop (v2sf);
	s0 =	sadd.s32 s0, s29  }
0x14a: {  	s4 =	spop (v2sf);
	s0 =	sadd.s32 s0, s3  }
0x14b: {  	s6 =	spop (v2sf);
	s0 =	sadd.s32 s0, s4  }
0x14c: {  	s7 =	spop (v2sf);
	s0 =	sadd.s32 s0, s6  }
0x14d: {  	s10 =	spop (v2sf);
	s0 =	sadd.s32 s0, s7  }
0x14e: {  	s11 =	spop (v2sf);
	s0 =	sadd.s32 s0, s10  }
0x14f: {  	s12 =	spop (v2sf);
	s0 =	sadd.s32 s0, s11  }
0x150: {  	s13 =	spop (v2sf);
	s0 =	sadd.s32 s0, s12  }
0x151: {  	s14 =	spop (v2sf);
	s0 =	sadd.s32 s0, s13  }
0x152: {  	s15 =	spop (v2sf);
	s0 =	sadd.s32 s0, s14  }
0x153: {  	s17 =	spop (v2sf);
	s0 =	sadd.s32 s0, s15  }
0x154: {  	s19 =	spop (v2sf);
	s0 =	sadd.s32 s0, s17  }
0x155: {  	s0 =	sadd.s32 s0, s19;
	s20 =	spop (v2sf)  }
0x156: {  	s29 =	ssub.s32 s16, s28;
	s0 =	sadd.s32 s0, s20  }
0x157: {  	s30 =	smov.u32 s21;
	p0 =	slt.s32 s21, $0xFFF00;
	s1 =	sadd.s32 s0, s29  }
0x158: {  	s30 =	simm.s32 @!p0 $0xFFF00;
	p0 =	slt.s32 s1, $0x1  }
.Ltmp22:
0x159: {  	_ = 	snop;
	(pc) =	sbr.rel @p0 .LBB2_24-.Ltmp22, $2  }
0x15a: {  	_ =	sdelay $0x2  }
0x15b: {  	s31 =	sshll.u32 s30, $0x8  }
.Ltmp23:
0x15c: {  	(pc) =	sbr.rel .LBB2_26-.Ltmp23, $4  }
0x15d: {  	_ = 	snop  }
0x15e: {  	s0 =	ssub.s32 $0x0, s31  }
0x15f: {  	s0 =	sshra.s32 s0, $0x2  }
0x160: {  	s6 =	ssub.s32 $0x0, s30;
	s13 =	simm.s32 $0x0;
	v4 =	vmov v0;
	s7 =	sadd.s32 $0x4890, s0  }
.LBB2_33:
0x161: {  	s2 =	ssub.s32 s28, s16;
	s13 =	sadd.s32 $0x1, s13  }
0x162: {  	s2 =	sshll.u32 s2, $0x8;
	p0 =	slt.s32 s13, s1  }
.Ltmp24:
0x163: {  	s2 =	sshra.s32 s2, $0x2;
	(pc) =	sbr.rel @!p0 .LBB2_34-.Ltmp24, $4  }
0x164: {  	[tilespmem:s2+$0x8810] =	vst v3  }
0x165: {  	v5 =	vimm.f32 $0.0e+00;
	[tilespmem:s2+$0x8820] =	vst v2  }
0x166: {  	s29 =	sadd.s32 $0x1, s28;
	v6 =	vimm.f32 $0.0e+00;
	v0 =	vimm.f32 $0.0e+00;
	[tilespmem:s2+$0x8840] =	vst v4;
	v4 =	vimm.f32 $0.0e+00  }
0x167: {  	s26 =	smov.u32 s0;
	s28 =	smov.u32 s29;
	[tilespmem:s2+$0x8830] =	vst v1;
	v1 =	vimm.f32 $0.0e+00;
	v2 =	vimm.f32 $0.0e+00;
	v3 =	vimm.f32 $0.0e+00  }
.LBB2_26:
0x168: {  	v0 =	vld [tilespmem:s28+$0x1];
	_ =	sdelay $0x4  }
0x169: {  	(v2sf) =	vpush v0, $0x0;
	_ =	sdelay $0xe  }
0x16a: {  	s0 =	spop (v2sf)  }
0x16b: {  	s29 =	ssub.s32 s0, s26  }
0x16c: {  	s2 =	sshra.s32 s29, $0x1F  }
0x16d: {  	s2 =	sshrl.u32 s2, $0x1E  }
0x16e: {  	s2 =	sadd.s32 s2, s29  }
0x16f: {  	s2 =	sand.u32 $0xFFFFFFFC, s2  }
0x170: {  	s12 =	sadd.s32 s26, s2  }
0x171: {  	p0 =	sge.s32 s26, s12  }
.Ltmp25:
0x172: {  	_ = 	snop;
	(pc) =	sbr.rel @p0 .LBB2_30-.Ltmp25, $1  }
0x173: {  	_ =	sdelay $0x3  }
0x174: {  	s3 =	sshll.u32 s26, $0x8  }
0x175: {  	s3 =	sshra.s32 s3, $0x2  }
0x176: {  	s3 =	sadd.s32 s3, s7  }
0x177: {  	v0 =	vld [tilespmem:s3+$0x40]  }
0x178: {  	v6 =	vld [tilespmem:s3+$0x50]  }
0x179: {  	v5 =	vld [tilespmem:s3+$0x0]  }
0x17a: {  	v7 =	vld [tilespmem:s3+$0x10]  }
0x17b: {  	v12 =	vld [tilespmem:s3+$0xFFFFFFC0]  }
0x17c: {  	v13 =	vld [tilespmem:s3+$0xFFFFFFD0]  }
0x17d: {  	v11 =	vld [tilespmem:s3+$0xFFFFFF80]  }
0x17e: {  	v14 =	vld [tilespmem:s3+$0xFFFFFF90]  }
0x17f: {  	v15 =	vld [tilespmem:s3+$0xFFFFFFA0]  }
0x180: {  	s26 =	sadd.s32 $0x4, s26;
	v16 =	vld [tilespmem:s3+$0xFFFFFFB0]  }
0x181: {  	p0 =	slt.s32 s26, s12;
	v9 =	vld [tilespmem:s3+$0xFFFFFFE0]  }
.Ltmp26:
0x182: {  	v10 =	vld [tilespmem:s3+$0xFFFFFFF0];
	(pc) =	sbr.rel @!p0 .LBB2_29-.Ltmp26, $4  }
0x183: {  	v8 =	vld [tilespmem:s3+$0x20]  }
0x184: {  	v17 =	vadd.f32 v11, v3;
	v14 =	vadd.f32 v14, v2;
	v2 =	vld [tilespmem:s3+$0x30]  }
0x185: {  	v3 =	vadd.f32 v15, v1;
	v11 =	vadd.f32 v16, v4;
	v1 =	vld [tilespmem:s3+$0x60]  }
0x186: {  	s4 =	sadd.s32 $0x100, s3;
	v4 =	vld [tilespmem:s3+$0x70];
	v12 =	vadd.f32 v12, v17;
	v13 =	vadd.f32 v13, v14  }
.LBB2_28:
0x187: {  	v14 =	vld [tilespmem:s4+$0x40];
	v3 =	vadd.f32 v9, v3;
	v9 =	vadd.f32 v10, v11  }
0x188: {  	v10 =	vld [tilespmem:s4+$0x50];
	v11 =	vadd.f32 v5, v12;
	v12 =	vadd.f32 v7, v13  }
0x189: {  	v5 =	vld [tilespmem:s4+$0x0];
	v3 =	vadd.f32 v8, v3;
	v2 =	vadd.f32 v2, v9  }
0x18a: {  	v7 =	vld [tilespmem:s4+$0x10];
	v11 =	vadd.f32 v0, v11;
	v12 =	vadd.f32 v6, v12  }
0x18b: {  	v13 =	vld [tilespmem:s4+$0xFFFFFFC0];
	v1 =	vadd.f32 v1, v3;
	v4 =	vadd.f32 v4, v2  }
0x18c: {  	v15 =	vld [tilespmem:s4+$0xFFFFFFD0];
	v0 =	vmov v14  }
0x18d: {  	v2 =	vld [tilespmem:s4+$0xFFFFFF80];
	v6 =	vmov v10  }
0x18e: {  	v3 =	vld [tilespmem:s4+$0xFFFFFF90]  }
0x18f: {  	v14 =	vld [tilespmem:s4+$0xFFFFFFA0]  }
0x190: {  	s26 =	sadd.s32 $0x4, s26;
	v16 =	vld [tilespmem:s4+$0xFFFFFFB0]  }
0x191: {  	p0 =	slt.s32 s26, s12;
	v9 =	vld [tilespmem:s4+$0xFFFFFFE0]  }
.Ltmp27:
0x192: {  	v10 =	vld [tilespmem:s4+$0xFFFFFFF0];
	(pc) =	sbr.rel @p0 .LBB2_28-.Ltmp27, $4  }
0x193: {  	v8 =	vld [tilespmem:s4+$0x20]  }
0x194: {  	v17 =	vadd.f32 v2, v11;
	v18 =	vadd.f32 v3, v12;
	v2 =	vld [tilespmem:s4+$0x30]  }
0x195: {  	v3 =	vadd.f32 v14, v1;
	v11 =	vadd.f32 v16, v4;
	v1 =	vld [tilespmem:s4+$0x60]  }
0x196: {  	v12 =	vadd.f32 v13, v17;
	v13 =	vadd.f32 v15, v18;
	v4 =	vld [tilespmem:s4+$0x70];
	s4 =	sadd.s32 $0x100, s4  }
.LBB2_29:
0x197: {  	v3 =	vadd.f32 v9, v3;
	v63 =	vadd.f32 v10, v11  }
0x198: {  	v5 =	vadd.f32 v5, v12;
	v7 =	vadd.f32 v7, v13  }
0x199: {  	v8 =	vadd.f32 v8, v3;
	v9 =	vadd.f32 v2, v63  }
0x19a: {  	v3 =	vadd.f32 v0, v5;
	v2 =	vadd.f32 v6, v7  }
0x19b: {  	v1 =	vadd.f32 v1, v8;
	v4 =	vadd.f32 v4, v9  }
.LBB2_30:
0x19c: {  	p0 =	sge.s32 s12, s0  }
.Ltmp28:
0x19d: {  	_ = 	snop;
	(pc) =	sbr.rel @p0 .LBB2_33-.Ltmp28, $1  }
0x19e: {  	_ =	sdelay $0x3  }
0x19f: {  	s2 =	ssub.s32 s29, s2;
	s3 =	sadd.s32 s0, s6  }
0x1a0: {  	s3 =	ssub.s32 s3, s2  }
0x1a1: {  	s3 =	sshll.u32 s3, $0x8  }
0x1a2: {  	s3 =	sshra.s32 s3, $0x2  }
0x1a3: {  	s3 =	sadd.s32 $0x4830, s3  }
.LBB2_32:
0x1a4: {  	v0 =	vld [tilespmem:s3+$0xFFFFFFE0]  }
0x1a5: {  	v5 =	vld [tilespmem:s3+$0xFFFFFFF0]  }
0x1a6: {  	v6 =	vld [tilespmem:s3+$0x0]  }
0x1a7: {  	v7 =	vld [tilespmem:s3+$0x10];
	p0 =	sne.s32 s2, $0x1  }
.Ltmp29:
0x1a8: {  	_ = 	snop;
	(pc) =	sbr.rel @p0 .LBB2_32-.Ltmp29, $3  }
0x1a9: {  	_ =	sdelay $0x1  }
0x1aa: {  	v3 =	vadd.f32 v0, v3;
	v2 =	vadd.f32 v5, v2  }
0x1ab: {  	s3 =	sadd.s32 $0x40, s3;
	s2 =	sadd.s32 $0xFFFFFFFF, s2;
	v1 =	vadd.f32 v6, v1;
	v4 =	vadd.f32 v7, v4  }
.Ltmp30:
0x1ac: {  	_ = 	snop;
	(pc) =	sbr.rel .LBB2_33-.Ltmp30, $1  }
0x1ad: {  	_ =	sdelay $0x3  }
.LBB2_24:
0x1ae: {  	s29 =	smov.u32 s28;
	s0 =	smov.u32 s26;
	v4 =	vmov v3;
	v5 =	vmov v2;
	v6 =	vmov v1  }
.LBB2_34:
0x1af: {  	s1 =	ssub.s32 s25, s0  }
0x1b0: {  	s2 =	sshra.s32 s1, $0x1F  }
0x1b1: {  	s2 =	sshrl.u32 s2, $0x1E  }
0x1b2: {  	s2 =	sadd.s32 s2, s1  }
0x1b3: {  	s6 =	sand.u32 $0xFFFFFFFC, s2  }
0x1b4: {  	s2 =	sadd.s32 s0, s6  }
0x1b5: {  	p0 =	sge.s32 s0, s2  }
.Ltmp31:
0x1b6: {  	_ = 	snop;
	(pc) =	sbr.rel @p0 .LBB2_38-.Ltmp31, $1  }
0x1b7: {  	_ =	sdelay $0x3  }
0x1b8: {  	s3 =	sshll.u32 s0, $0x8  }
0x1b9: {  	s3 =	ssub.s32 s3, s31  }
0x1ba: {  	s3 =	sshra.s32 s3, $0x2  }
0x1bb: {  	s3 =	sadd.s32 $0x4890, s3  }
0x1bc: {  	v1 =	vld [tilespmem:s3+$0x40]  }
0x1bd: {  	v3 =	vld [tilespmem:s3+$0x50]  }
0x1be: {  	v2 =	vld [tilespmem:s3+$0x0]  }
0x1bf: {  	v7 =	vld [tilespmem:s3+$0x10]  }
0x1c0: {  	v11 =	vld [tilespmem:s3+$0xFFFFFFC0]  }
0x1c1: {  	v13 =	vld [tilespmem:s3+$0xFFFFFFD0]  }
0x1c2: {  	v12 =	vld [tilespmem:s3+$0xFFFFFF80]  }
0x1c3: {  	v14 =	vld [tilespmem:s3+$0xFFFFFF90]  }
0x1c4: {  	v15 =	vld [tilespmem:s3+$0xFFFFFFA0]  }
0x1c5: {  	s0 =	sadd.s32 $0x4, s0;
	v16 =	vld [tilespmem:s3+$0xFFFFFFB0]  }
0x1c6: {  	p0 =	slt.s32 s0, s2;
	v9 =	vld [tilespmem:s3+$0xFFFFFFE0]  }
.Ltmp32:
0x1c7: {  	v10 =	vld [tilespmem:s3+$0xFFFFFFF0];
	(pc) =	sbr.rel @!p0 .LBB2_37-.Ltmp32, $4  }
0x1c8: {  	v8 =	vld [tilespmem:s3+$0x20]  }
0x1c9: {  	v12 =	vadd.f32 v12, v4;
	v14 =	vadd.f32 v14, v5;
	v4 =	vld [tilespmem:s3+$0x30]  }
0x1ca: {  	v5 =	vadd.f32 v15, v6;
	v6 =	vadd.f32 v16, v0;
	v0 =	vld [tilespmem:s3+$0x60]  }
0x1cb: {  	s4 =	sadd.s32 $0x100, s3;
	v12 =	vadd.f32 v11, v12;
	v13 =	vadd.f32 v13, v14;
	v11 =	vld [tilespmem:s3+$0x70]  }
.LBB2_36:
0x1cc: {  	v14 =	vld [tilespmem:s4+$0x40];
	v5 =	vadd.f32 v9, v5;
	v6 =	vadd.f32 v10, v6  }
0x1cd: {  	v9 =	vld [tilespmem:s4+$0x50];
	v10 =	vadd.f32 v2, v12;
	v12 =	vadd.f32 v7, v13  }
0x1ce: {  	v2 =	vld [tilespmem:s4+$0x0];
	v5 =	vadd.f32 v8, v5;
	v4 =	vadd.f32 v4, v6  }
0x1cf: {  	v7 =	vld [tilespmem:s4+$0x10];
	v6 =	vadd.f32 v1, v10;
	v12 =	vadd.f32 v3, v12  }
0x1d0: {  	v13 =	vld [tilespmem:s4+$0xFFFFFFC0];
	v0 =	vadd.f32 v0, v5;
	v11 =	vadd.f32 v11, v4  }
0x1d1: {  	v15 =	vld [tilespmem:s4+$0xFFFFFFD0];
	v1 =	vmov v14  }
0x1d2: {  	v4 =	vld [tilespmem:s4+$0xFFFFFF80];
	v3 =	vmov v9  }
0x1d3: {  	v5 =	vld [tilespmem:s4+$0xFFFFFF90]  }
0x1d4: {  	v14 =	vld [tilespmem:s4+$0xFFFFFFA0]  }
0x1d5: {  	s0 =	sadd.s32 $0x4, s0;
	v16 =	vld [tilespmem:s4+$0xFFFFFFB0]  }
0x1d6: {  	p0 =	slt.s32 s0, s2;
	v9 =	vld [tilespmem:s4+$0xFFFFFFE0]  }
.Ltmp33:
0x1d7: {  	v10 =	vld [tilespmem:s4+$0xFFFFFFF0];
	(pc) =	sbr.rel @p0 .LBB2_36-.Ltmp33, $4  }
0x1d8: {  	v8 =	vld [tilespmem:s4+$0x20]  }
0x1d9: {  	v17 =	vadd.f32 v4, v6;
	v18 =	vadd.f32 v5, v12;
	v4 =	vld [tilespmem:s4+$0x30]  }
0x1da: {  	v5 =	vadd.f32 v14, v0;
	v6 =	vadd.f32 v16, v11;
	v0 =	vld [tilespmem:s4+$0x60]  }
0x1db: {  	v12 =	vadd.f32 v13, v17;
	v13 =	vadd.f32 v15, v18;
	v11 =	vld [tilespmem:s4+$0x70];
	s4 =	sadd.s32 $0x100, s4  }
.LBB2_37:
0x1dc: {  	v5 =	vadd.f32 v9, v5;
	v6 =	vadd.f32 v10, v6  }
0x1dd: {  	v2 =	vadd.f32 v2, v12;
	v7 =	vadd.f32 v7, v13  }
0x1de: {  	v8 =	vadd.f32 v8, v5;
	v63 =	vadd.f32 v4, v6  }
0x1df: {  	v4 =	vadd.f32 v1, v2;
	v5 =	vadd.f32 v3, v7  }
0x1e0: {  	v6 =	vadd.f32 v0, v8;
	v0 =	vadd.f32 v11, v63  }
.LBB2_38:
0x1e1: {  	p0 =	sge.s32 s2, s25  }
.Ltmp34:
0x1e2: {  	_ = 	snop;
	(pc) =	sbr.rel @p0 .LBB2_41-.Ltmp34, $1  }
0x1e3: {  	_ =	sdelay $0x3  }
0x1e4: {  	p0 =	slt.s32 s18, s24;
	s2 =	smov.u32 s24  }
0x1e5: {  	s0 =	ssub.s32 s1, s6;
	s2 =	smov.u32 @p0 s18  }
0x1e6: {  	s1 =	ssub.s32 s2, s0  }
0x1e7: {  	s1 =	ssub.s32 s1, s30  }
0x1e8: {  	s1 =	sshll.u32 s1, $0x8  }
0x1e9: {  	s1 =	sshra.s32 s1, $0x2  }
0x1ea: {  	s1 =	sadd.s32 $0x4830, s1  }
.LBB2_40:
0x1eb: {  	v1 =	vld [tilespmem:s1+$0xFFFFFFE0]  }
0x1ec: {  	v2 =	vld [tilespmem:s1+$0xFFFFFFF0]  }
0x1ed: {  	v3 =	vld [tilespmem:s1+$0x0]  }
0x1ee: {  	v7 =	vld [tilespmem:s1+$0x10];
	p0 =	sne.s32 s0, $0x1  }
.Ltmp35:
0x1ef: {  	_ = 	snop;
	(pc) =	sbr.rel @p0 .LBB2_40-.Ltmp35, $3  }
0x1f0: {  	_ =	sdelay $0x1  }
0x1f1: {  	v4 =	vadd.f32 v1, v4;
	v5 =	vadd.f32 v2, v5  }
0x1f2: {  	s1 =	sadd.s32 $0x40, s1;
	s0 =	sadd.s32 $0xFFFFFFFF, s0;
	v6 =	vadd.f32 v3, v6;
	v0 =	vadd.f32 v7, v0  }
.Ltmp36:
0x1f3: {  	_ = 	snop;
	(pc) =	sbr.rel .LBB2_41-.Ltmp36, $1  }
0x1f4: {  	_ =	sdelay $0x3  }
.LBB2_44:
0x1f5: {  	_ =	sfence.sel $0x180000  }
0x1f6: {  	[bflag:$0x0] =	sbarrier.arrive $0xFFFF  }
0x1f7: {  	_ =	strace $0x90000047  }
0x1f8: {  	s0 =	stileid.u32;
	[bflag:$0x2] =	sbarrier.arrive $0xFFFF  }
0x1f9: {  	p0 =	sne.s32 s0, $0x0;
	s0 =	rddreg [dreg:$0x2]  }
0x1fa: {  	s0 =	sadd.s32 @!p0 $0x100000, s0  }
0x1fb: {  	[sflag:s0] =	ssyncadd.tile.s32 @!p0 $0x1;
	_ =	shalt  }
.Lfunc_end2:
_tile_overlayer_lowered:
.L_overlay_start_2:
0x1fc: {  	(tag) =	ssettag $0x2  }
0x1fd: {  	s0 =	rddreg [dreg:$0x0];
	s2 =	stileid.u32  }
0x1fe: {  	s1 =	rddreg [dreg:$0x1];
	p0 =	sne.s32 s2, $0x0  }
0x1ff: {  	s3 =	rddreg [dreg:$0x2];
	[bflag:$0x3] =	sbarrier.arrive $0xFFFF;
	s2 =	simm.s32 @!p0 $0x1C03  }
0x200: {  	[timem:s3], [sflag:s2] =	dma.local @!p0 [hbm:s0], s1  }
0x201: {  	s0 =	simm.s32 @!p0 $0x3  }
0x202: {  	_ =	swait.ge @!p0 [sflag:s0], s1  }
0x203: {  	s1 =	ssub.s32 @!p0 $0x0, s1;
	[sflag:s0] =	ssyncset.done @!p0 $0x0  }
0x204: {  	[sflag:s0] =	ssyncadd.s32 @!p0 s1  }
0x205: {  	[bflag:$0x3] =	sbarrier.arrive $0xFFFF  }
0x206: {  	_ =	shalt  }

</sc_bundles>
